<compile_context>
chip_gen: v7x
topology: tpu7x:2x2x1
jax: 0.10.2.dev20260603
libtpu: 0.0.44.dev20260713+nightly
codegen_flags: <defaults>
</compile_context>

<pallas_src>
import jax
import jax.numpy as jnp
from jax import lax
from jax.experimental import pallas as pl
from jax.experimental.pallas import tpu as pltpu
from jax.experimental.pallas import tpu_sc as plsc

_B, _N, _E = 4, 8192, 1024
_NC, _NS = 2, 16
_NW = _NC * _NS
_ROWS_W = _N // _NW
_CH = 16
_NCHUNK = _ROWS_W // _CH
_CHW = _CH * _E


def _sc_body(x_hbm, t_hbm, o_hbm,
             t_buf0, t_buf1, x_buf0, x_buf1, o_buf0, o_buf1,
             t_sem0, t_sem1, x_sem0, x_sem1, o_sem0, o_sem1):
    wid = lax.axis_index("s") * _NC + lax.axis_index("c")
    row_base = wid * _ROWS_W
    t_bufs, t_sems = (t_buf0, t_buf1), (t_sem0, t_sem1)
    x_bufs, x_sems = (x_buf0, x_buf1), (x_sem0, x_sem1)
    o_bufs, o_sems = (o_buf0, o_buf1), (o_sem0, o_sem1)

    def row0(c):
        return row_base + c * _CH

    def start_t(c, par):
        pltpu.async_copy(t_hbm.at[pl.ds(row0(c), _CH), :], t_bufs[par], t_sems[par])

    def start_x(c, b):
        pltpu.async_copy(
            x_hbm.at[b, pl.ds(row0(c), _CH), :], x_bufs[b % 2], x_sems[b % 2])

    def wait_t(par):
        pltpu.make_async_copy(
            t_hbm.at[pl.ds(0, _CH), :], t_bufs[par], t_sems[par]).wait()

    def wait_x(par):
        pltpu.make_async_copy(
            t_hbm.at[pl.ds(0, _CH), :], x_bufs[par], x_sems[par]).wait()

    def wait_o(par):
        pltpu.make_async_copy(
            o_bufs[par], o_hbm.at[0, pl.ds(0, _CH), :], o_sems[par]).wait()

    start_t(0, 0)
    start_x(0, 0)
    start_x(0, 1)

    def pair_body(p, carry):
        for cc in range(2):
            c = 2 * p + cc
            for b in range(_B):
                par = b % 2
                wait_x(par)
                if b == 0:
                    wait_t(cc)
                if cc == 0 and b < 2:
                    pl.when(p > 0)(lambda: wait_o(par))
                else:
                    wait_o(par)

                @plsc.parallel_loop(0, _CHW, step=16, unroll=8)
                def _add(i):
                    r = lax.shift_right_logical(i, 10)
                    col = pl.multiple_of(lax.bitwise_and(i, _E - 1), 16)
                    o_bufs[par][r, pl.ds(col, 16)] = (
                        x_bufs[par][r, pl.ds(col, 16)]
                        + t_bufs[cc][r, pl.ds(col, 16)]
                    )

                if b < 2:
                    start_x(c, b + 2)
                elif cc == 0:
                    start_x(2 * p + 1, b - 2)
                else:
                    pl.when(p < _NCHUNK // 2 - 1)(
                        lambda: start_x(2 * (p + 1), b - 2))
                if b == 0:
                    if cc == 0:
                        start_t(2 * p + 1, 1)
                    else:
                        pl.when(p < _NCHUNK // 2 - 1)(
                            lambda: start_t(2 * (p + 1), 0))
                pltpu.async_copy(
                    o_bufs[par], o_hbm.at[b, pl.ds(row0(c), _CH), :], o_sems[par])
        return carry

    lax.fori_loop(0, _NCHUNK // 2, pair_body, 0)

    wait_o(0)
    wait_o(1)


def kernel(encoded_tokens, pos_table):
    B, N, E = encoded_tokens.shape
    mesh = plsc.VectorSubcoreMesh(core_axis_name="c", subcore_axis_name="s")
    return pl.kernel(
        _sc_body,
        out_type=jax.ShapeDtypeStruct((B, N, E), encoded_tokens.dtype),
        mesh=mesh,
        compiler_params=pltpu.CompilerParams(use_tc_tiling_on_sc=True),
        scratch_types=[
            pltpu.VMEM((_CH, _E), jnp.float32),
            pltpu.VMEM((_CH, _E), jnp.float32),
            pltpu.VMEM((_CH, _E), jnp.float32),
            pltpu.VMEM((_CH, _E), jnp.float32),
            pltpu.VMEM((_CH, _E), jnp.float32),
            pltpu.VMEM((_CH, _E), jnp.float32),
            pltpu.SemaphoreType.DMA,
            pltpu.SemaphoreType.DMA,
            pltpu.SemaphoreType.DMA,
            pltpu.SemaphoreType.DMA,
            pltpu.SemaphoreType.DMA,
            pltpu.SemaphoreType.DMA,
        ],
    )(encoded_tokens, pos_table)

# --- scband reference (transcript-rebuilt; emitter-appended) ---
"""Pipeline reference for scband-positional-encoder-19361712571100 (READ-ONLY COPY).

The authoritative reference and input builder live on the scoring server;
editing this copy changes nothing except your own understanding.
"""

import jax, jax.numpy as jnp
import numpy as np

BATCH = 4
NUM_TOKENS = 8192
EMBED_DIM = 1024

def setup_inputs(seed: int = 0) -> dict:
    key = jax.random.key(seed)
    k1, k2 = jax.random.split(key)
    encoded_tokens = jax.random.normal(k1, (BATCH, NUM_TOKENS, EMBED_DIM), dtype=jnp.float32)
    # learned position embedding table, sized [num_tokens, embed_dim]
    pos_table = jax.random.normal(k2, (NUM_TOKENS, EMBED_DIM), dtype=jnp.float32) * 0.02
    return {"encoded_tokens": encoded_tokens, "pos_table": pos_table}

def reference(encoded_tokens, pos_table):
    # positions = range(num_tokens); embedding lookup -> gather rows
    positions = jnp.arange(NUM_TOKENS, dtype=jnp.int32)
    encoded_positions = jnp.take(pos_table, positions, axis=0)  # [num_tokens, embed_dim]
    # broadcast add over batch dimension
    return encoded_tokens + encoded_positions[None, :, :]

if __name__ == "__main__":
    import jax
    _d = setup_inputs()
    print(jax.jit(kernel)(*tuple(_d.values())))

</pallas_src>

<mosaic_0001>
#map = affine_map<(d0, d1) -> (0, 0, 0)>
#map1 = affine_map<(d0, d1) -> (0, 0)>
module attributes {stable_mosaic.version = 14 : i64} {
  func.func @_sc_body(%arg0: i32, %arg1: i32, %arg2: memref<4x8192x1024xf32, #tpu.memory_space<hbm>>, %arg3: memref<8192x1024xf32, #tpu.memory_space<hbm>>, %arg4: memref<4x8192x1024xf32, #tpu.memory_space<hbm>>, %arg5: memref<16x1024xf32, #tpu.memory_space<vmem>>, %arg6: memref<16x1024xf32, #tpu.memory_space<vmem>>, %arg7: memref<16x1024xf32, #tpu.memory_space<vmem>>, %arg8: memref<16x1024xf32, #tpu.memory_space<vmem>>, %arg9: memref<16x1024xf32, #tpu.memory_space<vmem>>, %arg10: memref<16x1024xf32, #tpu.memory_space<vmem>>, %arg11: memref<!tpu.dma_semaphore, #tpu.memory_space<semaphore_mem>>, %arg12: memref<!tpu.dma_semaphore, #tpu.memory_space<semaphore_mem>>, %arg13: memref<!tpu.dma_semaphore, #tpu.memory_space<semaphore_mem>>, %arg14: memref<!tpu.dma_semaphore, #tpu.memory_space<semaphore_mem>>, %arg15: memref<!tpu.dma_semaphore, #tpu.memory_space<semaphore_mem>>, %arg16: memref<!tpu.dma_semaphore, #tpu.memory_space<semaphore_mem>>) attributes {dimension_semantics = [#tpu.dimension_semantics<core_parallel>, #tpu.dimension_semantics<subcore_parallel>], iteration_bounds = array<i64: 2, 16>, scalar_prefetch = 0 : i64, scratch_operands = 12 : i64, tpu.core_type = #tpu.core_type<sc_vector_subcore>, window_params = [{transform_indices = #map}, {transform_indices = #map1}, {transform_indices = #map}]} {
    %mul3A = arith.constant 2 : i32
    %mul3A_0 = arith.muli %arg1, %mul3A : i32
    %add3A = arith.addi %mul3A_0, %arg0 : i32
    %mul3A_1 = arith.constant 256 : i32
    %mul3A_2 = arith.muli %add3A, %mul3A_1 : i32
    %add3A_3 = arith.constant 0 : i32
    %add3A_4 = arith.addi %mul3A_2, %add3A_3 : i32
    %dma_start3A = arith.constant 0 : i32
    %dma_start3A_5 = tpu.memref_slice %arg3[%add3A_4, %dma_start3A] : memref<8192x1024xf32, #tpu.memory_space<hbm>> -> memref<16x1024xf32, #tpu.memory_space<hbm>>
    %dma_start3A_6 = arith.constant 0 : i32
    %dma_start3A_7 = tpu.memref_slice %arg3[%add3A_4, %dma_start3A_6] : memref<8192x1024xf32, #tpu.memory_space<hbm>> -> memref<16x1024xf32, #tpu.memory_space<hbm>>
    tpu.enqueue_dma source(%dma_start3A_7 : memref<16x1024xf32, #tpu.memory_space<hbm>>) target(%arg5 : memref<16x1024xf32, #tpu.memory_space<vmem>>) target_semaphore(%arg11 : memref<!tpu.dma_semaphore, #tpu.memory_space<semaphore_mem>>)
    %add3A_8 = arith.constant 0 : i32
    %add3A_9 = arith.addi %mul3A_2, %add3A_8 : i32
    %dma_start3A_10 = arith.constant 0 : i32
    %dma_start3A_11 = arith.constant 0 : i32
    %dma_start3A_12 = tpu.memref_slice %arg2[%dma_start3A_10, %add3A_9, %dma_start3A_11] : memref<4x8192x1024xf32, #tpu.memory_space<hbm>> -> memref<1x16x1024xf32, #tpu.memory_space<hbm>>
    %dma_start3A_13 = tpu.memref_squeeze %dma_start3A_12 : memref<1x16x1024xf32, #tpu.memory_space<hbm>> -> memref<16x1024xf32, #tpu.memory_space<hbm>>
    %dma_start3A_14 = arith.constant 0 : i32
    %dma_start3A_15 = tpu.memref_slice %arg2[%dma_start3A_10, %add3A_9, %dma_start3A_14] : memref<4x8192x1024xf32, #tpu.memory_space<hbm>> -> memref<1x16x1024xf32, #tpu.memory_space<hbm>>
    %dma_start3A_16 = tpu.memref_squeeze %dma_start3A_15 : memref<1x16x1024xf32, #tpu.memory_space<hbm>> -> memref<16x1024xf32, #tpu.memory_space<hbm>>
    tpu.enqueue_dma source(%dma_start3A_16 : memref<16x1024xf32, #tpu.memory_space<hbm>>) target(%arg7 : memref<16x1024xf32, #tpu.memory_space<vmem>>) target_semaphore(%arg13 : memref<!tpu.dma_semaphore, #tpu.memory_space<semaphore_mem>>)
    %add3A_17 = arith.constant 0 : i32
    %add3A_18 = arith.addi %mul3A_2, %add3A_17 : i32
    %dma_start3A_19 = arith.constant 1 : i32
    %dma_start3A_20 = arith.constant 0 : i32
    %dma_start3A_21 = tpu.memref_slice %arg2[%dma_start3A_19, %add3A_18, %dma_start3A_20] : memref<4x8192x1024xf32, #tpu.memory_space<hbm>> -> memref<1x16x1024xf32, #tpu.memory_space<hbm>>
    %dma_start3A_22 = tpu.memref_squeeze %dma_start3A_21 : memref<1x16x1024xf32, #tpu.memory_space<hbm>> -> memref<16x1024xf32, #tpu.memory_space<hbm>>
    %dma_start3A_23 = arith.constant 0 : i32
    %dma_start3A_24 = tpu.memref_slice %arg2[%dma_start3A_19, %add3A_18, %dma_start3A_23] : memref<4x8192x1024xf32, #tpu.memory_space<hbm>> -> memref<1x16x1024xf32, #tpu.memory_space<hbm>>
    %dma_start3A_25 = tpu.memref_squeeze %dma_start3A_24 : memref<1x16x1024xf32, #tpu.memory_space<hbm>> -> memref<16x1024xf32, #tpu.memory_space<hbm>>
    tpu.enqueue_dma source(%dma_start3A_25 : memref<16x1024xf32, #tpu.memory_space<hbm>>) target(%arg8 : memref<16x1024xf32, #tpu.memory_space<vmem>>) target_semaphore(%arg14 : memref<!tpu.dma_semaphore, #tpu.memory_space<semaphore_mem>>)
    %scan3A = arith.constant 0 : i32
    %scan3A_26 = arith.constant 0 : i32
    %scan3A_27 = arith.constant 8 : i32
    %scan3A_28 = arith.addi %scan3A_26, %scan3A_27 : i32
    %scan3A_29 = arith.constant 1 : i32
    scf.for %scan3A_48 = %scan3A_26 to %scan3A_28 step %scan3A_29  : i32 {
      %mul3A_49 = arith.constant 2 : i32
      %mul3A_50 = arith.muli %mul3A_49, %scan3A_48 : i32
      %add3A_51 = arith.constant 0 : i32
      %add3A_52 = arith.addi %mul3A_50, %add3A_51 : i32
      %dma_wait3A_53 = arith.constant 0 : i32
      %dma_wait3A_54 = arith.constant 0 : i32
      %dma_wait3A_55 = tpu.memref_slice %arg3[%dma_wait3A_53, %dma_wait3A_54] : memref<8192x1024xf32, #tpu.memory_space<hbm>> -> memref<16x1024xf32, #tpu.memory_space<hbm>>
      %dma_wait3A_56 = arith.constant 0 : i32
      %dma_wait3A_57 = arith.constant 0 : i32
      %dma_wait3A_58 = tpu.memref_slice %arg3[%dma_wait3A_56, %dma_wait3A_57] : memref<8192x1024xf32, #tpu.memory_space<hbm>> -> memref<16x1024xf32, #tpu.memory_space<hbm>>
      tpu.wait_dma2 semaphore(%arg13 : memref<!tpu.dma_semaphore, #tpu.memory_space<semaphore_mem>>) src(%dma_wait3A_58 : memref<16x1024xf32, #tpu.memory_space<hbm>>) dst(%arg7 : memref<16x1024xf32, #tpu.memory_space<vmem>>)
      %dma_wait3A_59 = arith.constant 0 : i32
      %dma_wait3A_60 = arith.constant 0 : i32
      %dma_wait3A_61 = tpu.memref_slice %arg3[%dma_wait3A_59, %dma_wait3A_60] : memref<8192x1024xf32, #tpu.memory_space<hbm>> -> memref<16x1024xf32, #tpu.memory_space<hbm>>
      %dma_wait3A_62 = arith.constant 0 : i32
      %dma_wait3A_63 = arith.constant 0 : i32
      %dma_wait3A_64 = tpu.memref_slice %arg3[%dma_wait3A_62, %dma_wait3A_63] : memref<8192x1024xf32, #tpu.memory_space<hbm>> -> memref<16x1024xf32, #tpu.memory_space<hbm>>
      tpu.wait_dma2 semaphore(%arg11 : memref<!tpu.dma_semaphore, #tpu.memory_space<semaphore_mem>>) src(%dma_wait3A_64 : memref<16x1024xf32, #tpu.memory_space<hbm>>) dst(%arg5 : memref<16x1024xf32, #tpu.memory_space<vmem>>)
      %gt3A = arith.constant 0 : i32
      %gt3A_65 = arith.cmpi sgt, %scan3A_48, %gt3A : i32
      %convert_element_type3A = arith.extui %gt3A_65 : i1 to i32
      %cond3A = arith.constant 0 : i32
      %cond3A_66 = arith.cmpi ne, %convert_element_type3A, %cond3A : i32
      scf.if %cond3A_66 {
        %dma_wait3A_374 = arith.constant 0 : i32
        %dma_wait3A_375 = arith.constant 0 : i32
        %dma_wait3A_376 = arith.constant 0 : i32
        %dma_wait3A_377 = tpu.memref_slice %arg4[%dma_wait3A_374, %dma_wait3A_375, %dma_wait3A_376] : memref<4x8192x1024xf32, #tpu.memory_space<hbm>> -> memref<1x16x1024xf32, #tpu.memory_space<hbm>>
        %dma_wait3A_378 = tpu.memref_squeeze %dma_wait3A_377 : memref<1x16x1024xf32, #tpu.memory_space<hbm>> -> memref<16x1024xf32, #tpu.memory_space<hbm>>
        %dma_wait3A_379 = arith.constant 0 : i32
        %dma_wait3A_380 = arith.constant 0 : i32
        %dma_wait3A_381 = tpu.memref_slice %arg4[%dma_wait3A_374, %dma_wait3A_379, %dma_wait3A_380] : memref<4x8192x1024xf32, #tpu.memory_space<hbm>> -> memref<1x16x1024xf32, #tpu.memory_space<hbm>>
        %dma_wait3A_382 = tpu.memref_squeeze %dma_wait3A_381 : memref<1x16x1024xf32, #tpu.memory_space<hbm>> -> memref<16x1024xf32, #tpu.memory_space<hbm>>
        tpu.wait_dma2 semaphore(%arg15 : memref<!tpu.dma_semaphore, #tpu.memory_space<semaphore_mem>>) src(%arg9 : memref<16x1024xf32, #tpu.memory_space<vmem>>) dst(%dma_wait3A_382 : memref<16x1024xf32, #tpu.memory_space<hbm>>)
      } else {
      }
      %parallel_loop3A = arith.constant 0 : i32
      %parallel_loop3A_67 = arith.constant 16384 : i32
      %parallel_loop3A_68 = arith.constant 16 : i32
      scf.for %parallel_loop3A_374 = %parallel_loop3A to %parallel_loop3A_67 step %parallel_loop3A_68  : i32 {
        %parallel_loop3A_375 = arith.constant 10 : i32
        %parallel_loop3A_376 = arith.shrui %parallel_loop3A_374, %parallel_loop3A_375 : i32
        %parallel_loop3A_377 = arith.constant 1023 : i32
        %parallel_loop3A_378 = arith.andi %parallel_loop3A_374, %parallel_loop3A_377 : i32
        %parallel_loop3A_379 = tpu.assume_multiple %parallel_loop3A_378, 16 : i32
        %parallel_loop3A_380 = arith.index_cast %parallel_loop3A_376 : i32 to index
        %parallel_loop3A_381 = arith.index_cast %parallel_loop3A_379 : i32 to index
        %parallel_loop3A_382 = tpu.vector_load %arg7[%parallel_loop3A_380, %parallel_loop3A_381] {strides = array<i32>} : memref<16x1024xf32, #tpu.memory_space<vmem>>, vector<1x16xf32>,
        %parallel_loop3A_383 = vector.shape_cast %parallel_loop3A_382 : vector<1x16xf32> to vector<16xf32>
        %parallel_loop3A_384 = arith.index_cast %parallel_loop3A_376 : i32 to index
        %parallel_loop3A_385 = arith.index_cast %parallel_loop3A_379 : i32 to index
        %parallel_loop3A_386 = tpu.vector_load %arg5[%parallel_loop3A_384, %parallel_loop3A_385] {strides = array<i32>} : memref<16x1024xf32, #tpu.memory_space<vmem>>, vector<1x16xf32>,
        %parallel_loop3A_387 = vector.shape_cast %parallel_loop3A_386 : vector<1x16xf32> to vector<16xf32>
        %parallel_loop3A_388 = arith.addf %parallel_loop3A_383, %parallel_loop3A_387 : vector<16xf32>
        %parallel_loop3A_389 = arith.index_cast %parallel_loop3A_376 : i32 to index
        %parallel_loop3A_390 = arith.index_cast %parallel_loop3A_379 : i32 to index
        %parallel_loop3A_391 = tpu.vector_load %arg9[%parallel_loop3A_389, %parallel_loop3A_390] {strides = array<i32>} : memref<16x1024xf32, #tpu.memory_space<vmem>>, vector<1x16xf32>,
        %parallel_loop3A_392 = vector.shape_cast %parallel_loop3A_391 : vector<1x16xf32> to vector<16xf32>
        %parallel_loop3A_393 = vector.shape_cast %parallel_loop3A_388 : vector<16xf32> to vector<1x16xf32>
        tpu.vector_store %arg9[%parallel_loop3A_389, %parallel_loop3A_390], %parallel_loop3A_393 {strides = array<i32>} : memref<16x1024xf32, #tpu.memory_space<vmem>>, vector<1x16xf32>,
      } {sc.loop_unroll_factor = 8 : i64, sc.parallel_access}
      %mul3A_69 = arith.constant 16 : i32
      %mul3A_70 = arith.muli %add3A_52, %mul3A_69 : i32
      %add3A_71 = arith.addi %mul3A_2, %mul3A_70 : i32
      %dma_start3A_72 = arith.constant 2 : i32
      %dma_start3A_73 = arith.constant 0 : i32
      %dma_start3A_74 = tpu.memref_slice %arg2[%dma_start3A_72, %add3A_71, %dma_start3A_73] : memref<4x8192x1024xf32, #tpu.memory_space<hbm>> -> memref<1x16x1024xf32, #tpu.memory_space<hbm>>
      %dma_start3A_75 = tpu.memref_squeeze %dma_start3A_74 : memref<1x16x1024xf32, #tpu.memory_space<hbm>> -> memref<16x1024xf32, #tpu.memory_space<hbm>>
      %dma_start3A_76 = arith.constant 0 : i32
      %dma_start3A_77 = tpu.memref_slice %arg2[%dma_start3A_72, %add3A_71, %dma_start3A_76] : memref<4x8192x1024xf32, #tpu.memory_space<hbm>> -> memref<1x16x1024xf32, #tpu.memory_space<hbm>>
      %dma_start3A_78 = tpu.memref_squeeze %dma_start3A_77 : memref<1x16x1024xf32, #tpu.memory_space<hbm>> -> memref<16x1024xf32, #tpu.memory_space<hbm>>
      tpu.enqueue_dma source(%dma_start3A_78 : memref<16x1024xf32, #tpu.memory_space<hbm>>) target(%arg7 : memref<16x1024xf32, #tpu.memory_space<vmem>>) target_semaphore(%arg13 : memref<!tpu.dma_semaphore, #tpu.memory_space<semaphore_mem>>)
      %mul3A_79 = arith.constant 2 : i32
      %mul3A_80 = arith.muli %mul3A_79, %scan3A_48 : i32
      %add3A_81 = arith.constant 1 : i32
      %add3A_82 = arith.addi %mul3A_80, %add3A_81 : i32
      %mul3A_83 = arith.constant 16 : i32
      %mul3A_84 = arith.muli %add3A_82, %mul3A_83 : i32
      %add3A_85 = arith.addi %mul3A_2, %mul3A_84 : i32
      %dma_start3A_86 = arith.constant 0 : i32
      %dma_start3A_87 = tpu.memref_slice %arg3[%add3A_85, %dma_start3A_86] : memref<8192x1024xf32, #tpu.memory_space<hbm>> -> memref<16x1024xf32, #tpu.memory_space<hbm>>
      %dma_start3A_88 = arith.constant 0 : i32
      %dma_start3A_89 = tpu.memref_slice %arg3[%add3A_85, %dma_start3A_88] : memref<8192x1024xf32, #tpu.memory_space<hbm>> -> memref<16x1024xf32, #tpu.memory_space<hbm>>
      tpu.enqueue_dma source(%dma_start3A_89 : memref<16x1024xf32, #tpu.memory_space<hbm>>) target(%arg6 : memref<16x1024xf32, #tpu.memory_space<vmem>>) target_semaphore(%arg12 : memref<!tpu.dma_semaphore, #tpu.memory_space<semaphore_mem>>)
      %mul3A_90 = arith.constant 16 : i32
      %mul3A_91 = arith.muli %add3A_52, %mul3A_90 : i32
      %add3A_92 = arith.addi %mul3A_2, %mul3A_91 : i32
      %dma_start3A_93 = arith.constant 0 : i32
      %dma_start3A_94 = arith.constant 0 : i32
      %dma_start3A_95 = tpu.memref_slice %arg4[%dma_start3A_93, %add3A_92, %dma_start3A_94] : memref<4x8192x1024xf32, #tpu.memory_space<hbm>> -> memref<1x16x1024xf32, #tpu.memory_space<hbm>>
      %dma_start3A_96 = tpu.memref_squeeze %dma_start3A_95 : memref<1x16x1024xf32, #tpu.memory_space<hbm>> -> memref<16x1024xf32, #tpu.memory_space<hbm>>
      %dma_start3A_97 = arith.constant 0 : i32
      %dma_start3A_98 = tpu.memref_slice %arg4[%dma_start3A_93, %add3A_92, %dma_start3A_97] : memref<4x8192x1024xf32, #tpu.memory_space<hbm>> -> memref<1x16x1024xf32, #tpu.memory_space<hbm>>
      %dma_start3A_99 = tpu.memref_squeeze %dma_start3A_98 : memref<1x16x1024xf32, #tpu.memory_space<hbm>> -> memref<16x1024xf32, #tpu.memory_space<hbm>>
      tpu.enqueue_dma source(%arg9 : memref<16x1024xf32, #tpu.memory_space<vmem>>) target(%dma_start3A_99 : memref<16x1024xf32, #tpu.memory_space<hbm>>) target_semaphore(%arg15 : memref<!tpu.dma_semaphore, #tpu.memory_space<semaphore_mem>>)
      %dma_wait3A_100 = arith.constant 0 : i32
      %dma_wait3A_101 = arith.constant 0 : i32
      %dma_wait3A_102 = tpu.memref_slice %arg3[%dma_wait3A_100, %dma_wait3A_101] : memref<8192x1024xf32, #tpu.memory_space<hbm>> -> memref<16x1024xf32, #tpu.memory_space<hbm>>
      %dma_wait3A_103 = arith.constant 0 : i32
      %dma_wait3A_104 = arith.constant 0 : i32
      %dma_wait3A_105 = tpu.memref_slice %arg3[%dma_wait3A_103, %dma_wait3A_104] : memref<8192x1024xf32, #tpu.memory_space<hbm>> -> memref<16x1024xf32, #tpu.memory_space<hbm>>
      tpu.wait_dma2 semaphore(%arg14 : memref<!tpu.dma_semaphore, #tpu.memory_space<semaphore_mem>>) src(%dma_wait3A_105 : memref<16x1024xf32, #tpu.memory_space<hbm>>) dst(%arg8 : memref<16x1024xf32, #tpu.memory_space<vmem>>)
      %gt3A_106 = arith.constant 0 : i32
      %gt3A_107 = arith.cmpi sgt, %scan3A_48, %gt3A_106 : i32
      %convert_element_type3A_108 = arith.extui %gt3A_107 : i1 to i32
      %cond3A_109 = arith.constant 0 : i32
      %cond3A_110 = arith.cmpi ne, %convert_element_type3A_108, %cond3A_109 : i32
      scf.if %cond3A_110 {
        %dma_wait3A_374 = arith.constant 0 : i32
        %dma_wait3A_375 = arith.constant 0 : i32
        %dma_wait3A_376 = arith.constant 0 : i32
        %dma_wait3A_377 = tpu.memref_slice %arg4[%dma_wait3A_374, %dma_wait3A_375, %dma_wait3A_376] : memref<4x8192x1024xf32, #tpu.memory_space<hbm>> -> memref<1x16x1024xf32, #tpu.memory_space<hbm>>
        %dma_wait3A_378 = tpu.memref_squeeze %dma_wait3A_377 : memref<1x16x1024xf32, #tpu.memory_space<hbm>> -> memref<16x1024xf32, #tpu.memory_space<hbm>>
        %dma_wait3A_379 = arith.constant 0 : i32
        %dma_wait3A_380 = arith.constant 0 : i32
        %dma_wait3A_381 = tpu.memref_slice %arg4[%dma_wait3A_374, %dma_wait3A_379, %dma_wait3A_380] : memref<4x8192x1024xf32, #tpu.memory_space<hbm>> -> memref<1x16x1024xf32, #tpu.memory_space<hbm>>
        %dma_wait3A_382 = tpu.memref_squeeze %dma_wait3A_381 : memref<1x16x1024xf32, #tpu.memory_space<hbm>> -> memref<16x1024xf32, #tpu.memory_space<hbm>>
        tpu.wait_dma2 semaphore(%arg16 : memref<!tpu.dma_semaphore, #tpu.memory_space<semaphore_mem>>) src(%arg10 : memref<16x1024xf32, #tpu.memory_space<vmem>>) dst(%dma_wait3A_382 : memref<16x1024xf32, #tpu.memory_space<hbm>>)
      } else {
      }
      %parallel_loop3A_111 = arith.constant 0 : i32
      %parallel_loop3A_112 = arith.constant 16384 : i32
      %parallel_loop3A_113 = arith.constant 16 : i32
      scf.for %parallel_loop3A_374 = %parallel_loop3A_111 to %parallel_loop3A_112 step %parallel_loop3A_113  : i32 {
        %parallel_loop3A_375 = arith.constant 10 : i32
        %parallel_loop3A_376 = arith.shrui %parallel_loop3A_374, %parallel_loop3A_375 : i32
        %parallel_loop3A_377 = arith.constant 1023 : i32
        %parallel_loop3A_378 = arith.andi %parallel_loop3A_374, %parallel_loop3A_377 : i32
        %parallel_loop3A_379 = tpu.assume_multiple %parallel_loop3A_378, 16 : i32
        %parallel_loop3A_380 = arith.index_cast %parallel_loop3A_376 : i32 to index
        %parallel_loop3A_381 = arith.index_cast %parallel_loop3A_379 : i32 to index
        %parallel_loop3A_382 = tpu.vector_load %arg8[%parallel_loop3A_380, %parallel_loop3A_381] {strides = array<i32>} : memref<16x1024xf32, #tpu.memory_space<vmem>>, vector<1x16xf32>,
        %parallel_loop3A_383 = vector.shape_cast %parallel_loop3A_382 : vector<1x16xf32> to vector<16xf32>
        %parallel_loop3A_384 = arith.index_cast %parallel_loop3A_376 : i32 to index
        %parallel_loop3A_385 = arith.index_cast %parallel_loop3A_379 : i32 to index
        %parallel_loop3A_386 = tpu.vector_load %arg5[%parallel_loop3A_384, %parallel_loop3A_385] {strides = array<i32>} : memref<16x1024xf32, #tpu.memory_space<vmem>>, vector<1x16xf32>,
        %parallel_loop3A_387 = vector.shape_cast %parallel_loop3A_386 : vector<1x16xf32> to vector<16xf32>
        %parallel_loop3A_388 = arith.addf %parallel_loop3A_383, %parallel_loop3A_387 : vector<16xf32>
        %parallel_loop3A_389 = arith.index_cast %parallel_loop3A_376 : i32 to index
        %parallel_loop3A_390 = arith.index_cast %parallel_loop3A_379 : i32 to index
        %parallel_loop3A_391 = tpu.vector_load %arg10[%parallel_loop3A_389, %parallel_loop3A_390] {strides = array<i32>} : memref<16x1024xf32, #tpu.memory_space<vmem>>, vector<1x16xf32>,
        %parallel_loop3A_392 = vector.shape_cast %parallel_loop3A_391 : vector<1x16xf32> to vector<16xf32>
        %parallel_loop3A_393 = vector.shape_cast %parallel_loop3A_388 : vector<16xf32> to vector<1x16xf32>
        tpu.vector_store %arg10[%parallel_loop3A_389, %parallel_loop3A_390], %parallel_loop3A_393 {strides = array<i32>} : memref<16x1024xf32, #tpu.memory_space<vmem>>, vector<1x16xf32>,
      } {sc.loop_unroll_factor = 8 : i64, sc.parallel_access}
      %mul3A_114 = arith.constant 16 : i32
      %mul3A_115 = arith.muli %add3A_52, %mul3A_114 : i32
      %add3A_116 = arith.addi %mul3A_2, %mul3A_115 : i32
      %dma_start3A_117 = arith.constant 3 : i32
      %dma_start3A_118 = arith.constant 0 : i32
      %dma_start3A_119 = tpu.memref_slice %arg2[%dma_start3A_117, %add3A_116, %dma_start3A_118] : memref<4x8192x1024xf32, #tpu.memory_space<hbm>> -> memref<1x16x1024xf32, #tpu.memory_space<hbm>>
      %dma_start3A_120 = tpu.memref_squeeze %dma_start3A_119 : memref<1x16x1024xf32, #tpu.memory_space<hbm>> -> memref<16x1024xf32, #tpu.memory_space<hbm>>
      %dma_start3A_121 = arith.constant 0 : i32
      %dma_start3A_122 = tpu.memref_slice %arg2[%dma_start3A_117, %add3A_116, %dma_start3A_121] : memref<4x8192x1024xf32, #tpu.memory_space<hbm>> -> memref<1x16x1024xf32, #tpu.memory_space<hbm>>
      %dma_start3A_123 = tpu.memref_squeeze %dma_start3A_122 : memref<1x16x1024xf32, #tpu.memory_space<hbm>> -> memref<16x1024xf32, #tpu.memory_space<hbm>>
      tpu.enqueue_dma source(%dma_start3A_123 : memref<16x1024xf32, #tpu.memory_space<hbm>>) target(%arg8 : memref<16x1024xf32, #tpu.memory_space<vmem>>) target_semaphore(%arg14 : memref<!tpu.dma_semaphore, #tpu.memory_space<semaphore_mem>>)
      %mul3A_124 = arith.constant 16 : i32
      %mul3A_125 = arith.muli %add3A_52, %mul3A_124 : i32
      %add3A_126 = arith.addi %mul3A_2, %mul3A_125 : i32
      %dma_start3A_127 = arith.constant 1 : i32
      %dma_start3A_128 = arith.constant 0 : i32
      %dma_start3A_129 = tpu.memref_slice %arg4[%dma_start3A_127, %add3A_126, %dma_start3A_128] : memref<4x8192x1024xf32, #tpu.memory_space<hbm>> -> memref<1x16x1024xf32, #tpu.memory_space<hbm>>
      %dma_start3A_130 = tpu.memref_squeeze %dma_start3A_129 : memref<1x16x1024xf32, #tpu.memory_space<hbm>> -> memref<16x1024xf32, #tpu.memory_space<hbm>>
      %dma_start3A_131 = arith.constant 0 : i32
      %dma_start3A_132 = tpu.memref_slice %arg4[%dma_start3A_127, %add3A_126, %dma_start3A_131] : memref<4x8192x1024xf32, #tpu.memory_space<hbm>> -> memref<1x16x1024xf32, #tpu.memory_space<hbm>>
      %dma_start3A_133 = tpu.memref_squeeze %dma_start3A_132 : memref<1x16x1024xf32, #tpu.memory_space<hbm>> -> memref<16x1024xf32, #tpu.memory_space<hbm>>
      tpu.enqueue_dma source(%arg10 : memref<16x1024xf32, #tpu.memory_space<vmem>>) target(%dma_start3A_133 : memref<16x1024xf32, #tpu.memory_space<hbm>>) target_semaphore(%arg16 : memref<!tpu.dma_semaphore, #tpu.memory_space<semaphore_mem>>)
      %dma_wait3A_134 = arith.constant 0 : i32
      %dma_wait3A_135 = arith.constant 0 : i32
      %dma_wait3A_136 = tpu.memref_slice %arg3[%dma_wait3A_134, %dma_wait3A_135] : memref<8192x1024xf32, #tpu.memory_space<hbm>> -> memref<16x1024xf32, #tpu.memory_space<hbm>>
      %dma_wait3A_137 = arith.constant 0 : i32
      %dma_wait3A_138 = arith.constant 0 : i32
      %dma_wait3A_139 = tpu.memref_slice %arg3[%dma_wait3A_137, %dma_wait3A_138] : memref<8192x1024xf32, #tpu.memory_space<hbm>> -> memref<16x1024xf32, #tpu.memory_space<hbm>>
      tpu.wait_dma2 semaphore(%arg13 : memref<!tpu.dma_semaphore, #tpu.memory_space<semaphore_mem>>) src(%dma_wait3A_139 : memref<16x1024xf32, #tpu.memory_space<hbm>>) dst(%arg7 : memref<16x1024xf32, #tpu.memory_space<vmem>>)
      %dma_wait3A_140 = arith.constant 0 : i32
      %dma_wait3A_141 = arith.constant 0 : i32
      %dma_wait3A_142 = arith.constant 0 : i32
      %dma_wait3A_143 = tpu.memref_slice %arg4[%dma_wait3A_140, %dma_wait3A_141, %dma_wait3A_142] : memref<4x8192x1024xf32, #tpu.memory_space<hbm>> -> memref<1x16x1024xf32, #tpu.memory_space<hbm>>
      %dma_wait3A_144 = tpu.memref_squeeze %dma_wait3A_143 : memref<1x16x1024xf32, #tpu.memory_space<hbm>> -> memref<16x1024xf32, #tpu.memory_space<hbm>>
      %dma_wait3A_145 = arith.constant 0 : i32
      %dma_wait3A_146 = arith.constant 0 : i32
      %dma_wait3A_147 = tpu.memref_slice %arg4[%dma_wait3A_140, %dma_wait3A_145, %dma_wait3A_146] : memref<4x8192x1024xf32, #tpu.memory_space<hbm>> -> memref<1x16x1024xf32, #tpu.memory_space<hbm>>
      %dma_wait3A_148 = tpu.memref_squeeze %dma_wait3A_147 : memref<1x16x1024xf32, #tpu.memory_space<hbm>> -> memref<16x1024xf32, #tpu.memory_space<hbm>>
      tpu.wait_dma2 semaphore(%arg15 : memref<!tpu.dma_semaphore, #tpu.memory_space<semaphore_mem>>) src(%arg9 : memref<16x1024xf32, #tpu.memory_space<vmem>>) dst(%dma_wait3A_148 : memref<16x1024xf32, #tpu.memory_space<hbm>>)
      %parallel_loop3A_149 = arith.constant 0 : i32
      %parallel_loop3A_150 = arith.constant 16384 : i32
      %parallel_loop3A_151 = arith.constant 16 : i32
      scf.for %parallel_loop3A_374 = %parallel_loop3A_149 to %parallel_loop3A_150 step %parallel_loop3A_151  : i32 {
        %parallel_loop3A_375 = arith.constant 10 : i32
        %parallel_loop3A_376 = arith.shrui %parallel_loop3A_374, %parallel_loop3A_375 : i32
        %parallel_loop3A_377 = arith.constant 1023 : i32
        %parallel_loop3A_378 = arith.andi %parallel_loop3A_374, %parallel_loop3A_377 : i32
        %parallel_loop3A_379 = tpu.assume_multiple %parallel_loop3A_378, 16 : i32
        %parallel_loop3A_380 = arith.index_cast %parallel_loop3A_376 : i32 to index
        %parallel_loop3A_381 = arith.index_cast %parallel_loop3A_379 : i32 to index
        %parallel_loop3A_382 = tpu.vector_load %arg7[%parallel_loop3A_380, %parallel_loop3A_381] {strides = array<i32>} : memref<16x1024xf32, #tpu.memory_space<vmem>>, vector<1x16xf32>,
        %parallel_loop3A_383 = vector.shape_cast %parallel_loop3A_382 : vector<1x16xf32> to vector<16xf32>
        %parallel_loop3A_384 = arith.index_cast %parallel_loop3A_376 : i32 to index
        %parallel_loop3A_385 = arith.index_cast %parallel_loop3A_379 : i32 to index
        %parallel_loop3A_386 = tpu.vector_load %arg5[%parallel_loop3A_384, %parallel_loop3A_385] {strides = array<i32>} : memref<16x1024xf32, #tpu.memory_space<vmem>>, vector<1x16xf32>,
        %parallel_loop3A_387 = vector.shape_cast %parallel_loop3A_386 : vector<1x16xf32> to vector<16xf32>
        %parallel_loop3A_388 = arith.addf %parallel_loop3A_383, %parallel_loop3A_387 : vector<16xf32>
        %parallel_loop3A_389 = arith.index_cast %parallel_loop3A_376 : i32 to index
        %parallel_loop3A_390 = arith.index_cast %parallel_loop3A_379 : i32 to index
        %parallel_loop3A_391 = tpu.vector_load %arg9[%parallel_loop3A_389, %parallel_loop3A_390] {strides = array<i32>} : memref<16x1024xf32, #tpu.memory_space<vmem>>, vector<1x16xf32>,
        %parallel_loop3A_392 = vector.shape_cast %parallel_loop3A_391 : vector<1x16xf32> to vector<16xf32>
        %parallel_loop3A_393 = vector.shape_cast %parallel_loop3A_388 : vector<16xf32> to vector<1x16xf32>
        tpu.vector_store %arg9[%parallel_loop3A_389, %parallel_loop3A_390], %parallel_loop3A_393 {strides = array<i32>} : memref<16x1024xf32, #tpu.memory_space<vmem>>, vector<1x16xf32>,
      } {sc.loop_unroll_factor = 8 : i64, sc.parallel_access}
      %mul3A_152 = arith.constant 2 : i32
      %mul3A_153 = arith.muli %mul3A_152, %scan3A_48 : i32
      %add3A_154 = arith.constant 1 : i32
      %add3A_155 = arith.addi %mul3A_153, %add3A_154 : i32
      %mul3A_156 = arith.constant 16 : i32
      %mul3A_157 = arith.muli %add3A_155, %mul3A_156 : i32
      %add3A_158 = arith.addi %mul3A_2, %mul3A_157 : i32
      %dma_start3A_159 = arith.constant 0 : i32
      %dma_start3A_160 = arith.constant 0 : i32
      %dma_start3A_161 = tpu.memref_slice %arg2[%dma_start3A_159, %add3A_158, %dma_start3A_160] : memref<4x8192x1024xf32, #tpu.memory_space<hbm>> -> memref<1x16x1024xf32, #tpu.memory_space<hbm>>
      %dma_start3A_162 = tpu.memref_squeeze %dma_start3A_161 : memref<1x16x1024xf32, #tpu.memory_space<hbm>> -> memref<16x1024xf32, #tpu.memory_space<hbm>>
      %dma_start3A_163 = arith.constant 0 : i32
      %dma_start3A_164 = tpu.memref_slice %arg2[%dma_start3A_159, %add3A_158, %dma_start3A_163] : memref<4x8192x1024xf32, #tpu.memory_space<hbm>> -> memref<1x16x1024xf32, #tpu.memory_space<hbm>>
      %dma_start3A_165 = tpu.memref_squeeze %dma_start3A_164 : memref<1x16x1024xf32, #tpu.memory_space<hbm>> -> memref<16x1024xf32, #tpu.memory_space<hbm>>
      tpu.enqueue_dma source(%dma_start3A_165 : memref<16x1024xf32, #tpu.memory_space<hbm>>) target(%arg7 : memref<16x1024xf32, #tpu.memory_space<vmem>>) target_semaphore(%arg13 : memref<!tpu.dma_semaphore, #tpu.memory_space<semaphore_mem>>)
      %mul3A_166 = arith.constant 16 : i32
      %mul3A_167 = arith.muli %add3A_52, %mul3A_166 : i32
      %add3A_168 = arith.addi %mul3A_2, %mul3A_167 : i32
      %dma_start3A_169 = arith.constant 2 : i32
      %dma_start3A_170 = arith.constant 0 : i32
      %dma_start3A_171 = tpu.memref_slice %arg4[%dma_start3A_169, %add3A_168, %dma_start3A_170] : memref<4x8192x1024xf32, #tpu.memory_space<hbm>> -> memref<1x16x1024xf32, #tpu.memory_space<hbm>>
      %dma_start3A_172 = tpu.memref_squeeze %dma_start3A_171 : memref<1x16x1024xf32, #tpu.memory_space<hbm>> -> memref<16x1024xf32, #tpu.memory_space<hbm>>
      %dma_start3A_173 = arith.constant 0 : i32
      %dma_start3A_174 = tpu.memref_slice %arg4[%dma_start3A_169, %add3A_168, %dma_start3A_173] : memref<4x8192x1024xf32, #tpu.memory_space<hbm>> -> memref<1x16x1024xf32, #tpu.memory_space<hbm>>
      %dma_start3A_175 = tpu.memref_squeeze %dma_start3A_174 : memref<1x16x1024xf32, #tpu.memory_space<hbm>> -> memref<16x1024xf32, #tpu.memory_space<hbm>>
      tpu.enqueue_dma source(%arg9 : memref<16x1024xf32, #tpu.memory_space<vmem>>) target(%dma_start3A_175 : memref<16x1024xf32, #tpu.memory_space<hbm>>) target_semaphore(%arg15 : memref<!tpu.dma_semaphore, #tpu.memory_space<semaphore_mem>>)
      %dma_wait3A_176 = arith.constant 0 : i32
      %dma_wait3A_177 = arith.constant 0 : i32
      %dma_wait3A_178 = tpu.memref_slice %arg3[%dma_wait3A_176, %dma_wait3A_177] : memref<8192x1024xf32, #tpu.memory_space<hbm>> -> memref<16x1024xf32, #tpu.memory_space<hbm>>
      %dma_wait3A_179 = arith.constant 0 : i32
      %dma_wait3A_180 = arith.constant 0 : i32
      %dma_wait3A_181 = tpu.memref_slice %arg3[%dma_wait3A_179, %dma_wait3A_180] : memref<8192x1024xf32, #tpu.memory_space<hbm>> -> memref<16x1024xf32, #tpu.memory_space<hbm>>
      tpu.wait_dma2 semaphore(%arg14 : memref<!tpu.dma_semaphore, #tpu.memory_space<semaphore_mem>>) src(%dma_wait3A_181 : memref<16x1024xf32, #tpu.memory_space<hbm>>) dst(%arg8 : memref<16x1024xf32, #tpu.memory_space<vmem>>)
      %dma_wait3A_182 = arith.constant 0 : i32
      %dma_wait3A_183 = arith.constant 0 : i32
      %dma_wait3A_184 = arith.constant 0 : i32
      %dma_wait3A_185 = tpu.memref_slice %arg4[%dma_wait3A_182, %dma_wait3A_183, %dma_wait3A_184] : memref<4x8192x1024xf32, #tpu.memory_space<hbm>> -> memref<1x16x1024xf32, #tpu.memory_space<hbm>>
      %dma_wait3A_186 = tpu.memref_squeeze %dma_wait3A_185 : memref<1x16x1024xf32, #tpu.memory_space<hbm>> -> memref<16x1024xf32, #tpu.memory_space<hbm>>
      %dma_wait3A_187 = arith.constant 0 : i32
      %dma_wait3A_188 = arith.constant 0 : i32
      %dma_wait3A_189 = tpu.memref_slice %arg4[%dma_wait3A_182, %dma_wait3A_187, %dma_wait3A_188] : memref<4x8192x1024xf32, #tpu.memory_space<hbm>> -> memref<1x16x1024xf32, #tpu.memory_space<hbm>>
      %dma_wait3A_190 = tpu.memref_squeeze %dma_wait3A_189 : memref<1x16x1024xf32, #tpu.memory_space<hbm>> -> memref<16x1024xf32, #tpu.memory_space<hbm>>
      tpu.wait_dma2 semaphore(%arg16 : memref<!tpu.dma_semaphore, #tpu.memory_space<semaphore_mem>>) src(%arg10 : memref<16x1024xf32, #tpu.memory_space<vmem>>) dst(%dma_wait3A_190 : memref<16x1024xf32, #tpu.memory_space<hbm>>)
      %parallel_loop3A_191 = arith.constant 0 : i32
      %parallel_loop3A_192 = arith.constant 16384 : i32
      %parallel_loop3A_193 = arith.constant 16 : i32
      scf.for %parallel_loop3A_374 = %parallel_loop3A_191 to %parallel_loop3A_192 step %parallel_loop3A_193  : i32 {
        %parallel_loop3A_375 = arith.constant 10 : i32
        %parallel_loop3A_376 = arith.shrui %parallel_loop3A_374, %parallel_loop3A_375 : i32
        %parallel_loop3A_377 = arith.constant 1023 : i32
        %parallel_loop3A_378 = arith.andi %parallel_loop3A_374, %parallel_loop3A_377 : i32
        %parallel_loop3A_379 = tpu.assume_multiple %parallel_loop3A_378, 16 : i32
        %parallel_loop3A_380 = arith.index_cast %parallel_loop3A_376 : i32 to index
        %parallel_loop3A_381 = arith.index_cast %parallel_loop3A_379 : i32 to index
        %parallel_loop3A_382 = tpu.vector_load %arg8[%parallel_loop3A_380, %parallel_loop3A_381] {strides = array<i32>} : memref<16x1024xf32, #tpu.memory_space<vmem>>, vector<1x16xf32>,
        %parallel_loop3A_383 = vector.shape_cast %parallel_loop3A_382 : vector<1x16xf32> to vector<16xf32>
        %parallel_loop3A_384 = arith.index_cast %parallel_loop3A_376 : i32 to index
        %parallel_loop3A_385 = arith.index_cast %parallel_loop3A_379 : i32 to index
        %parallel_loop3A_386 = tpu.vector_load %arg5[%parallel_loop3A_384, %parallel_loop3A_385] {strides = array<i32>} : memref<16x1024xf32, #tpu.memory_space<vmem>>, vector<1x16xf32>,
        %parallel_loop3A_387 = vector.shape_cast %parallel_loop3A_386 : vector<1x16xf32> to vector<16xf32>
        %parallel_loop3A_388 = arith.addf %parallel_loop3A_383, %parallel_loop3A_387 : vector<16xf32>
        %parallel_loop3A_389 = arith.index_cast %parallel_loop3A_376 : i32 to index
        %parallel_loop3A_390 = arith.index_cast %parallel_loop3A_379 : i32 to index
        %parallel_loop3A_391 = tpu.vector_load %arg10[%parallel_loop3A_389, %parallel_loop3A_390] {strides = array<i32>} : memref<16x1024xf32, #tpu.memory_space<vmem>>, vector<1x16xf32>,
        %parallel_loop3A_392 = vector.shape_cast %parallel_loop3A_391 : vector<1x16xf32> to vector<16xf32>
        %parallel_loop3A_393 = vector.shape_cast %parallel_loop3A_388 : vector<16xf32> to vector<1x16xf32>
        tpu.vector_store %arg10[%parallel_loop3A_389, %parallel_loop3A_390], %parallel_loop3A_393 {strides = array<i32>} : memref<16x1024xf32, #tpu.memory_space<vmem>>, vector<1x16xf32>,
      } {sc.loop_unroll_factor = 8 : i64, sc.parallel_access}
      %mul3A_194 = arith.constant 2 : i32
      %mul3A_195 = arith.muli %mul3A_194, %scan3A_48 : i32
      %add3A_196 = arith.constant 1 : i32
      %add3A_197 = arith.addi %mul3A_195, %add3A_196 : i32
      %mul3A_198 = arith.constant 16 : i32
      %mul3A_199 = arith.muli %add3A_197, %mul3A_198 : i32
      %add3A_200 = arith.addi %mul3A_2, %mul3A_199 : i32
      %dma_start3A_201 = arith.constant 1 : i32
      %dma_start3A_202 = arith.constant 0 : i32
      %dma_start3A_203 = tpu.memref_slice %arg2[%dma_start3A_201, %add3A_200, %dma_start3A_202] : memref<4x8192x1024xf32, #tpu.memory_space<hbm>> -> memref<1x16x1024xf32, #tpu.memory_space<hbm>>
      %dma_start3A_204 = tpu.memref_squeeze %dma_start3A_203 : memref<1x16x1024xf32, #tpu.memory_space<hbm>> -> memref<16x1024xf32, #tpu.memory_space<hbm>>
      %dma_start3A_205 = arith.constant 0 : i32
      %dma_start3A_206 = tpu.memref_slice %arg2[%dma_start3A_201, %add3A_200, %dma_start3A_205] : memref<4x8192x1024xf32, #tpu.memory_space<hbm>> -> memref<1x16x1024xf32, #tpu.memory_space<hbm>>
      %dma_start3A_207 = tpu.memref_squeeze %dma_start3A_206 : memref<1x16x1024xf32, #tpu.memory_space<hbm>> -> memref<16x1024xf32, #tpu.memory_space<hbm>>
      tpu.enqueue_dma source(%dma_start3A_207 : memref<16x1024xf32, #tpu.memory_space<hbm>>) target(%arg8 : memref<16x1024xf32, #tpu.memory_space<vmem>>) target_semaphore(%arg14 : memref<!tpu.dma_semaphore, #tpu.memory_space<semaphore_mem>>)
      %mul3A_208 = arith.constant 16 : i32
      %mul3A_209 = arith.muli %add3A_52, %mul3A_208 : i32
      %add3A_210 = arith.addi %mul3A_2, %mul3A_209 : i32
      %dma_start3A_211 = arith.constant 3 : i32
      %dma_start3A_212 = arith.constant 0 : i32
      %dma_start3A_213 = tpu.memref_slice %arg4[%dma_start3A_211, %add3A_210, %dma_start3A_212] : memref<4x8192x1024xf32, #tpu.memory_space<hbm>> -> memref<1x16x1024xf32, #tpu.memory_space<hbm>>
      %dma_start3A_214 = tpu.memref_squeeze %dma_start3A_213 : memref<1x16x1024xf32, #tpu.memory_space<hbm>> -> memref<16x1024xf32, #tpu.memory_space<hbm>>
      %dma_start3A_215 = arith.constant 0 : i32
      %dma_start3A_216 = tpu.memref_slice %arg4[%dma_start3A_211, %add3A_210, %dma_start3A_215] : memref<4x8192x1024xf32, #tpu.memory_space<hbm>> -> memref<1x16x1024xf32, #tpu.memory_space<hbm>>
      %dma_start3A_217 = tpu.memref_squeeze %dma_start3A_216 : memref<1x16x1024xf32, #tpu.memory_space<hbm>> -> memref<16x1024xf32, #tpu.memory_space<hbm>>
      tpu.enqueue_dma source(%arg10 : memref<16x1024xf32, #tpu.memory_space<vmem>>) target(%dma_start3A_217 : memref<16x1024xf32, #tpu.memory_space<hbm>>) target_semaphore(%arg16 : memref<!tpu.dma_semaphore, #tpu.memory_space<semaphore_mem>>)
      %mul3A_218 = arith.constant 2 : i32
      %mul3A_219 = arith.muli %mul3A_218, %scan3A_48 : i32
      %add3A_220 = arith.constant 1 : i32
      %add3A_221 = arith.addi %mul3A_219, %add3A_220 : i32
      %dma_wait3A_222 = arith.constant 0 : i32
      %dma_wait3A_223 = arith.constant 0 : i32
      %dma_wait3A_224 = tpu.memref_slice %arg3[%dma_wait3A_222, %dma_wait3A_223] : memref<8192x1024xf32, #tpu.memory_space<hbm>> -> memref<16x1024xf32, #tpu.memory_space<hbm>>
      %dma_wait3A_225 = arith.constant 0 : i32
      %dma_wait3A_226 = arith.constant 0 : i32
      %dma_wait3A_227 = tpu.memref_slice %arg3[%dma_wait3A_225, %dma_wait3A_226] : memref<8192x1024xf32, #tpu.memory_space<hbm>> -> memref<16x1024xf32, #tpu.memory_space<hbm>>
      tpu.wait_dma2 semaphore(%arg13 : memref<!tpu.dma_semaphore, #tpu.memory_space<semaphore_mem>>) src(%dma_wait3A_227 : memref<16x1024xf32, #tpu.memory_space<hbm>>) dst(%arg7 : memref<16x1024xf32, #tpu.memory_space<vmem>>)
      %dma_wait3A_228 = arith.constant 0 : i32
      %dma_wait3A_229 = arith.constant 0 : i32
      %dma_wait3A_230 = tpu.memref_slice %arg3[%dma_wait3A_228, %dma_wait3A_229] : memref<8192x1024xf32, #tpu.memory_space<hbm>> -> memref<16x1024xf32, #tpu.memory_space<hbm>>
      %dma_wait3A_231 = arith.constant 0 : i32
      %dma_wait3A_232 = arith.constant 0 : i32
      %dma_wait3A_233 = tpu.memref_slice %arg3[%dma_wait3A_231, %dma_wait3A_232] : memref<8192x1024xf32, #tpu.memory_space<hbm>> -> memref<16x1024xf32, #tpu.memory_space<hbm>>
      tpu.wait_dma2 semaphore(%arg12 : memref<!tpu.dma_semaphore, #tpu.memory_space<semaphore_mem>>) src(%dma_wait3A_233 : memref<16x1024xf32, #tpu.memory_space<hbm>>) dst(%arg6 : memref<16x1024xf32, #tpu.memory_space<vmem>>)
      %dma_wait3A_234 = arith.constant 0 : i32
      %dma_wait3A_235 = arith.constant 0 : i32
      %dma_wait3A_236 = arith.constant 0 : i32
      %dma_wait3A_237 = tpu.memref_slice %arg4[%dma_wait3A_234, %dma_wait3A_235, %dma_wait3A_236] : memref<4x8192x1024xf32, #tpu.memory_space<hbm>> -> memref<1x16x1024xf32, #tpu.memory_space<hbm>>
      %dma_wait3A_238 = tpu.memref_squeeze %dma_wait3A_237 : memref<1x16x1024xf32, #tpu.memory_space<hbm>> -> memref<16x1024xf32, #tpu.memory_space<hbm>>
      %dma_wait3A_239 = arith.constant 0 : i32
      %dma_wait3A_240 = arith.constant 0 : i32
      %dma_wait3A_241 = tpu.memref_slice %arg4[%dma_wait3A_234, %dma_wait3A_239, %dma_wait3A_240] : memref<4x8192x1024xf32, #tpu.memory_space<hbm>> -> memref<1x16x1024xf32, #tpu.memory_space<hbm>>
      %dma_wait3A_242 = tpu.memref_squeeze %dma_wait3A_241 : memref<1x16x1024xf32, #tpu.memory_space<hbm>> -> memref<16x1024xf32, #tpu.memory_space<hbm>>
      tpu.wait_dma2 semaphore(%arg15 : memref<!tpu.dma_semaphore, #tpu.memory_space<semaphore_mem>>) src(%arg9 : memref<16x1024xf32, #tpu.memory_space<vmem>>) dst(%dma_wait3A_242 : memref<16x1024xf32, #tpu.memory_space<hbm>>)
      %parallel_loop3A_243 = arith.constant 0 : i32
      %parallel_loop3A_244 = arith.constant 16384 : i32
      %parallel_loop3A_245 = arith.constant 16 : i32
      scf.for %parallel_loop3A_374 = %parallel_loop3A_243 to %parallel_loop3A_244 step %parallel_loop3A_245  : i32 {
        %parallel_loop3A_375 = arith.constant 10 : i32
        %parallel_loop3A_376 = arith.shrui %parallel_loop3A_374, %parallel_loop3A_375 : i32
        %parallel_loop3A_377 = arith.constant 1023 : i32
        %parallel_loop3A_378 = arith.andi %parallel_loop3A_374, %parallel_loop3A_377 : i32
        %parallel_loop3A_379 = tpu.assume_multiple %parallel_loop3A_378, 16 : i32
        %parallel_loop3A_380 = arith.index_cast %parallel_loop3A_376 : i32 to index
        %parallel_loop3A_381 = arith.index_cast %parallel_loop3A_379 : i32 to index
        %parallel_loop3A_382 = tpu.vector_load %arg7[%parallel_loop3A_380, %parallel_loop3A_381] {strides = array<i32>} : memref<16x1024xf32, #tpu.memory_space<vmem>>, vector<1x16xf32>,
        %parallel_loop3A_383 = vector.shape_cast %parallel_loop3A_382 : vector<1x16xf32> to vector<16xf32>
        %parallel_loop3A_384 = arith.index_cast %parallel_loop3A_376 : i32 to index
        %parallel_loop3A_385 = arith.index_cast %parallel_loop3A_379 : i32 to index
        %parallel_loop3A_386 = tpu.vector_load %arg6[%parallel_loop3A_384, %parallel_loop3A_385] {strides = array<i32>} : memref<16x1024xf32, #tpu.memory_space<vmem>>, vector<1x16xf32>,
        %parallel_loop3A_387 = vector.shape_cast %parallel_loop3A_386 : vector<1x16xf32> to vector<16xf32>
        %parallel_loop3A_388 = arith.addf %parallel_loop3A_383, %parallel_loop3A_387 : vector<16xf32>
        %parallel_loop3A_389 = arith.index_cast %parallel_loop3A_376 : i32 to index
        %parallel_loop3A_390 = arith.index_cast %parallel_loop3A_379 : i32 to index
        %parallel_loop3A_391 = tpu.vector_load %arg9[%parallel_loop3A_389, %parallel_loop3A_390] {strides = array<i32>} : memref<16x1024xf32, #tpu.memory_space<vmem>>, vector<1x16xf32>,
        %parallel_loop3A_392 = vector.shape_cast %parallel_loop3A_391 : vector<1x16xf32> to vector<16xf32>
        %parallel_loop3A_393 = vector.shape_cast %parallel_loop3A_388 : vector<16xf32> to vector<1x16xf32>
        tpu.vector_store %arg9[%parallel_loop3A_389, %parallel_loop3A_390], %parallel_loop3A_393 {strides = array<i32>} : memref<16x1024xf32, #tpu.memory_space<vmem>>, vector<1x16xf32>,
      } {sc.loop_unroll_factor = 8 : i64, sc.parallel_access}
      %mul3A_246 = arith.constant 16 : i32
      %mul3A_247 = arith.muli %add3A_221, %mul3A_246 : i32
      %add3A_248 = arith.addi %mul3A_2, %mul3A_247 : i32
      %dma_start3A_249 = arith.constant 2 : i32
      %dma_start3A_250 = arith.constant 0 : i32
      %dma_start3A_251 = tpu.memref_slice %arg2[%dma_start3A_249, %add3A_248, %dma_start3A_250] : memref<4x8192x1024xf32, #tpu.memory_space<hbm>> -> memref<1x16x1024xf32, #tpu.memory_space<hbm>>
      %dma_start3A_252 = tpu.memref_squeeze %dma_start3A_251 : memref<1x16x1024xf32, #tpu.memory_space<hbm>> -> memref<16x1024xf32, #tpu.memory_space<hbm>>
      %dma_start3A_253 = arith.constant 0 : i32
      %dma_start3A_254 = tpu.memref_slice %arg2[%dma_start3A_249, %add3A_248, %dma_start3A_253] : memref<4x8192x1024xf32, #tpu.memory_space<hbm>> -> memref<1x16x1024xf32, #tpu.memory_space<hbm>>
      %dma_start3A_255 = tpu.memref_squeeze %dma_start3A_254 : memref<1x16x1024xf32, #tpu.memory_space<hbm>> -> memref<16x1024xf32, #tpu.memory_space<hbm>>
      tpu.enqueue_dma source(%dma_start3A_255 : memref<16x1024xf32, #tpu.memory_space<hbm>>) target(%arg7 : memref<16x1024xf32, #tpu.memory_space<vmem>>) target_semaphore(%arg13 : memref<!tpu.dma_semaphore, #tpu.memory_space<semaphore_mem>>)
      %lt3A = arith.constant 7 : i32
      %lt3A_256 = arith.cmpi slt, %scan3A_48, %lt3A : i32
      %convert_element_type3A_257 = arith.extui %lt3A_256 : i1 to i32
      %cond3A_258 = arith.constant 0 : i32
      %cond3A_259 = arith.cmpi ne, %convert_element_type3A_257, %cond3A_258 : i32
      scf.if %cond3A_259 {
        %add3A_374 = arith.constant 1 : i32
        %add3A_375 = arith.addi %scan3A_48, %add3A_374 : i32
        %mul3A_376 = arith.constant 2 : i32
        %mul3A_377 = arith.muli %mul3A_376, %add3A_375 : i32
        %mul3A_378 = arith.constant 16 : i32
        %mul3A_379 = arith.muli %mul3A_377, %mul3A_378 : i32
        %add3A_380 = arith.addi %mul3A_2, %mul3A_379 : i32
        %dma_start3A_381 = arith.constant 0 : i32
        %dma_start3A_382 = tpu.memref_slice %arg3[%add3A_380, %dma_start3A_381] : memref<8192x1024xf32, #tpu.memory_space<hbm>> -> memref<16x1024xf32, #tpu.memory_space<hbm>>
        %dma_start3A_383 = arith.constant 0 : i32
        %dma_start3A_384 = tpu.memref_slice %arg3[%add3A_380, %dma_start3A_383] : memref<8192x1024xf32, #tpu.memory_space<hbm>> -> memref<16x1024xf32, #tpu.memory_space<hbm>>
        tpu.enqueue_dma source(%dma_start3A_384 : memref<16x1024xf32, #tpu.memory_space<hbm>>) target(%arg5 : memref<16x1024xf32, #tpu.memory_space<vmem>>) target_semaphore(%arg11 : memref<!tpu.dma_semaphore, #tpu.memory_space<semaphore_mem>>)
      } else {
      }
      %mul3A_260 = arith.constant 16 : i32
      %mul3A_261 = arith.muli %add3A_221, %mul3A_260 : i32
      %add3A_262 = arith.addi %mul3A_2, %mul3A_261 : i32
      %dma_start3A_263 = arith.constant 0 : i32
      %dma_start3A_264 = arith.constant 0 : i32
      %dma_start3A_265 = tpu.memref_slice %arg4[%dma_start3A_263, %add3A_262, %dma_start3A_264] : memref<4x8192x1024xf32, #tpu.memory_space<hbm>> -> memref<1x16x1024xf32, #tpu.memory_space<hbm>>
      %dma_start3A_266 = tpu.memref_squeeze %dma_start3A_265 : memref<1x16x1024xf32, #tpu.memory_space<hbm>> -> memref<16x1024xf32, #tpu.memory_space<hbm>>
      %dma_start3A_267 = arith.constant 0 : i32
      %dma_start3A_268 = tpu.memref_slice %arg4[%dma_start3A_263, %add3A_262, %dma_start3A_267] : memref<4x8192x1024xf32, #tpu.memory_space<hbm>> -> memref<1x16x1024xf32, #tpu.memory_space<hbm>>
      %dma_start3A_269 = tpu.memref_squeeze %dma_start3A_268 : memref<1x16x1024xf32, #tpu.memory_space<hbm>> -> memref<16x1024xf32, #tpu.memory_space<hbm>>
      tpu.enqueue_dma source(%arg9 : memref<16x1024xf32, #tpu.memory_space<vmem>>) target(%dma_start3A_269 : memref<16x1024xf32, #tpu.memory_space<hbm>>) target_semaphore(%arg15 : memref<!tpu.dma_semaphore, #tpu.memory_space<semaphore_mem>>)
      %dma_wait3A_270 = arith.constant 0 : i32
      %dma_wait3A_271 = arith.constant 0 : i32
      %dma_wait3A_272 = tpu.memref_slice %arg3[%dma_wait3A_270, %dma_wait3A_271] : memref<8192x1024xf32, #tpu.memory_space<hbm>> -> memref<16x1024xf32, #tpu.memory_space<hbm>>
      %dma_wait3A_273 = arith.constant 0 : i32
      %dma_wait3A_274 = arith.constant 0 : i32
      %dma_wait3A_275 = tpu.memref_slice %arg3[%dma_wait3A_273, %dma_wait3A_274] : memref<8192x1024xf32, #tpu.memory_space<hbm>> -> memref<16x1024xf32, #tpu.memory_space<hbm>>
      tpu.wait_dma2 semaphore(%arg14 : memref<!tpu.dma_semaphore, #tpu.memory_space<semaphore_mem>>) src(%dma_wait3A_275 : memref<16x1024xf32, #tpu.memory_space<hbm>>) dst(%arg8 : memref<16x1024xf32, #tpu.memory_space<vmem>>)
      %dma_wait3A_276 = arith.constant 0 : i32
      %dma_wait3A_277 = arith.constant 0 : i32
      %dma_wait3A_278 = arith.constant 0 : i32
      %dma_wait3A_279 = tpu.memref_slice %arg4[%dma_wait3A_276, %dma_wait3A_277, %dma_wait3A_278] : memref<4x8192x1024xf32, #tpu.memory_space<hbm>> -> memref<1x16x1024xf32, #tpu.memory_space<hbm>>
      %dma_wait3A_280 = tpu.memref_squeeze %dma_wait3A_279 : memref<1x16x1024xf32, #tpu.memory_space<hbm>> -> memref<16x1024xf32, #tpu.memory_space<hbm>>
      %dma_wait3A_281 = arith.constant 0 : i32
      %dma_wait3A_282 = arith.constant 0 : i32
      %dma_wait3A_283 = tpu.memref_slice %arg4[%dma_wait3A_276, %dma_wait3A_281, %dma_wait3A_282] : memref<4x8192x1024xf32, #tpu.memory_space<hbm>> -> memref<1x16x1024xf32, #tpu.memory_space<hbm>>
      %dma_wait3A_284 = tpu.memref_squeeze %dma_wait3A_283 : memref<1x16x1024xf32, #tpu.memory_space<hbm>> -> memref<16x1024xf32, #tpu.memory_space<hbm>>
      tpu.wait_dma2 semaphore(%arg16 : memref<!tpu.dma_semaphore, #tpu.memory_space<semaphore_mem>>) src(%arg10 : memref<16x1024xf32, #tpu.memory_space<vmem>>) dst(%dma_wait3A_284 : memref<16x1024xf32, #tpu.memory_space<hbm>>)
      %parallel_loop3A_285 = arith.constant 0 : i32
      %parallel_loop3A_286 = arith.constant 16384 : i32
      %parallel_loop3A_287 = arith.constant 16 : i32
      scf.for %parallel_loop3A_374 = %parallel_loop3A_285 to %parallel_loop3A_286 step %parallel_loop3A_287  : i32 {
        %parallel_loop3A_375 = arith.constant 10 : i32
        %parallel_loop3A_376 = arith.shrui %parallel_loop3A_374, %parallel_loop3A_375 : i32
        %parallel_loop3A_377 = arith.constant 1023 : i32
        %parallel_loop3A_378 = arith.andi %parallel_loop3A_374, %parallel_loop3A_377 : i32
        %parallel_loop3A_379 = tpu.assume_multiple %parallel_loop3A_378, 16 : i32
        %parallel_loop3A_380 = arith.index_cast %parallel_loop3A_376 : i32 to index
        %parallel_loop3A_381 = arith.index_cast %parallel_loop3A_379 : i32 to index
        %parallel_loop3A_382 = tpu.vector_load %arg8[%parallel_loop3A_380, %parallel_loop3A_381] {strides = array<i32>} : memref<16x1024xf32, #tpu.memory_space<vmem>>, vector<1x16xf32>,
        %parallel_loop3A_383 = vector.shape_cast %parallel_loop3A_382 : vector<1x16xf32> to vector<16xf32>
        %parallel_loop3A_384 = arith.index_cast %parallel_loop3A_376 : i32 to index
        %parallel_loop3A_385 = arith.index_cast %parallel_loop3A_379 : i32 to index
        %parallel_loop3A_386 = tpu.vector_load %arg6[%parallel_loop3A_384, %parallel_loop3A_385] {strides = array<i32>} : memref<16x1024xf32, #tpu.memory_space<vmem>>, vector<1x16xf32>,
        %parallel_loop3A_387 = vector.shape_cast %parallel_loop3A_386 : vector<1x16xf32> to vector<16xf32>
        %parallel_loop3A_388 = arith.addf %parallel_loop3A_383, %parallel_loop3A_387 : vector<16xf32>
        %parallel_loop3A_389 = arith.index_cast %parallel_loop3A_376 : i32 to index
        %parallel_loop3A_390 = arith.index_cast %parallel_loop3A_379 : i32 to index
        %parallel_loop3A_391 = tpu.vector_load %arg10[%parallel_loop3A_389, %parallel_loop3A_390] {strides = array<i32>} : memref<16x1024xf32, #tpu.memory_space<vmem>>, vector<1x16xf32>,
        %parallel_loop3A_392 = vector.shape_cast %parallel_loop3A_391 : vector<1x16xf32> to vector<16xf32>
        %parallel_loop3A_393 = vector.shape_cast %parallel_loop3A_388 : vector<16xf32> to vector<1x16xf32>
        tpu.vector_store %arg10[%parallel_loop3A_389, %parallel_loop3A_390], %parallel_loop3A_393 {strides = array<i32>} : memref<16x1024xf32, #tpu.memory_space<vmem>>, vector<1x16xf32>,
      } {sc.loop_unroll_factor = 8 : i64, sc.parallel_access}
      %mul3A_288 = arith.constant 16 : i32
      %mul3A_289 = arith.muli %add3A_221, %mul3A_288 : i32
      %add3A_290 = arith.addi %mul3A_2, %mul3A_289 : i32
      %dma_start3A_291 = arith.constant 3 : i32
      %dma_start3A_292 = arith.constant 0 : i32
      %dma_start3A_293 = tpu.memref_slice %arg2[%dma_start3A_291, %add3A_290, %dma_start3A_292] : memref<4x8192x1024xf32, #tpu.memory_space<hbm>> -> memref<1x16x1024xf32, #tpu.memory_space<hbm>>
      %dma_start3A_294 = tpu.memref_squeeze %dma_start3A_293 : memref<1x16x1024xf32, #tpu.memory_space<hbm>> -> memref<16x1024xf32, #tpu.memory_space<hbm>>
      %dma_start3A_295 = arith.constant 0 : i32
      %dma_start3A_296 = tpu.memref_slice %arg2[%dma_start3A_291, %add3A_290, %dma_start3A_295] : memref<4x8192x1024xf32, #tpu.memory_space<hbm>> -> memref<1x16x1024xf32, #tpu.memory_space<hbm>>
      %dma_start3A_297 = tpu.memref_squeeze %dma_start3A_296 : memref<1x16x1024xf32, #tpu.memory_space<hbm>> -> memref<16x1024xf32, #tpu.memory_space<hbm>>
      tpu.enqueue_dma source(%dma_start3A_297 : memref<16x1024xf32, #tpu.memory_space<hbm>>) target(%arg8 : memref<16x1024xf32, #tpu.memory_space<vmem>>) target_semaphore(%arg14 : memref<!tpu.dma_semaphore, #tpu.memory_space<semaphore_mem>>)
      %mul3A_298 = arith.constant 16 : i32
      %mul3A_299 = arith.muli %add3A_221, %mul3A_298 : i32
      %add3A_300 = arith.addi %mul3A_2, %mul3A_299 : i32
      %dma_start3A_301 = arith.constant 1 : i32
      %dma_start3A_302 = arith.constant 0 : i32
      %dma_start3A_303 = tpu.memref_slice %arg4[%dma_start3A_301, %add3A_300, %dma_start3A_302] : memref<4x8192x1024xf32, #tpu.memory_space<hbm>> -> memref<1x16x1024xf32, #tpu.memory_space<hbm>>
      %dma_start3A_304 = tpu.memref_squeeze %dma_start3A_303 : memref<1x16x1024xf32, #tpu.memory_space<hbm>> -> memref<16x1024xf32, #tpu.memory_space<hbm>>
      %dma_start3A_305 = arith.constant 0 : i32
      %dma_start3A_306 = tpu.memref_slice %arg4[%dma_start3A_301, %add3A_300, %dma_start3A_305] : memref<4x8192x1024xf32, #tpu.memory_space<hbm>> -> memref<1x16x1024xf32, #tpu.memory_space<hbm>>
      %dma_start3A_307 = tpu.memref_squeeze %dma_start3A_306 : memref<1x16x1024xf32, #tpu.memory_space<hbm>> -> memref<16x1024xf32, #tpu.memory_space<hbm>>
      tpu.enqueue_dma source(%arg10 : memref<16x1024xf32, #tpu.memory_space<vmem>>) target(%dma_start3A_307 : memref<16x1024xf32, #tpu.memory_space<hbm>>) target_semaphore(%arg16 : memref<!tpu.dma_semaphore, #tpu.memory_space<semaphore_mem>>)
      %dma_wait3A_308 = arith.constant 0 : i32
      %dma_wait3A_309 = arith.constant 0 : i32
      %dma_wait3A_310 = tpu.memref_slice %arg3[%dma_wait3A_308, %dma_wait3A_309] : memref<8192x1024xf32, #tpu.memory_space<hbm>> -> memref<16x1024xf32, #tpu.memory_space<hbm>>
      %dma_wait3A_311 = arith.constant 0 : i32
      %dma_wait3A_312 = arith.constant 0 : i32
      %dma_wait3A_313 = tpu.memref_slice %arg3[%dma_wait3A_311, %dma_wait3A_312] : memref<8192x1024xf32, #tpu.memory_space<hbm>> -> memref<16x1024xf32, #tpu.memory_space<hbm>>
      tpu.wait_dma2 semaphore(%arg13 : memref<!tpu.dma_semaphore, #tpu.memory_space<semaphore_mem>>) src(%dma_wait3A_313 : memref<16x1024xf32, #tpu.memory_space<hbm>>) dst(%arg7 : memref<16x1024xf32, #tpu.memory_space<vmem>>)
      %dma_wait3A_314 = arith.constant 0 : i32
      %dma_wait3A_315 = arith.constant 0 : i32
      %dma_wait3A_316 = arith.constant 0 : i32
      %dma_wait3A_317 = tpu.memref_slice %arg4[%dma_wait3A_314, %dma_wait3A_315, %dma_wait3A_316] : memref<4x8192x1024xf32, #tpu.memory_space<hbm>> -> memref<1x16x1024xf32, #tpu.memory_space<hbm>>
      %dma_wait3A_318 = tpu.memref_squeeze %dma_wait3A_317 : memref<1x16x1024xf32, #tpu.memory_space<hbm>> -> memref<16x1024xf32, #tpu.memory_space<hbm>>
      %dma_wait3A_319 = arith.constant 0 : i32
      %dma_wait3A_320 = arith.constant 0 : i32
      %dma_wait3A_321 = tpu.memref_slice %arg4[%dma_wait3A_314, %dma_wait3A_319, %dma_wait3A_320] : memref<4x8192x1024xf32, #tpu.memory_space<hbm>> -> memref<1x16x1024xf32, #tpu.memory_space<hbm>>
      %dma_wait3A_322 = tpu.memref_squeeze %dma_wait3A_321 : memref<1x16x1024xf32, #tpu.memory_space<hbm>> -> memref<16x1024xf32, #tpu.memory_space<hbm>>
      tpu.wait_dma2 semaphore(%arg15 : memref<!tpu.dma_semaphore, #tpu.memory_space<semaphore_mem>>) src(%arg9 : memref<16x1024xf32, #tpu.memory_space<vmem>>) dst(%dma_wait3A_322 : memref<16x1024xf32, #tpu.memory_space<hbm>>)
      %parallel_loop3A_323 = arith.constant 0 : i32
      %parallel_loop3A_324 = arith.constant 16384 : i32
      %parallel_loop3A_325 = arith.constant 16 : i32
      scf.for %parallel_loop3A_374 = %parallel_loop3A_323 to %parallel_loop3A_324 step %parallel_loop3A_325  : i32 {
        %parallel_loop3A_375 = arith.constant 10 : i32
        %parallel_loop3A_376 = arith.shrui %parallel_loop3A_374, %parallel_loop3A_375 : i32
        %parallel_loop3A_377 = arith.constant 1023 : i32
        %parallel_loop3A_378 = arith.andi %parallel_loop3A_374, %parallel_loop3A_377 : i32
        %parallel_loop3A_379 = tpu.assume_multiple %parallel_loop3A_378, 16 : i32
        %parallel_loop3A_380 = arith.index_cast %parallel_loop3A_376 : i32 to index
        %parallel_loop3A_381 = arith.index_cast %parallel_loop3A_379 : i32 to index
        %parallel_loop3A_382 = tpu.vector_load %arg7[%parallel_loop3A_380, %parallel_loop3A_381] {strides = array<i32>} : memref<16x1024xf32, #tpu.memory_space<vmem>>, vector<1x16xf32>,
        %parallel_loop3A_383 = vector.shape_cast %parallel_loop3A_382 : vector<1x16xf32> to vector<16xf32>
        %parallel_loop3A_384 = arith.index_cast %parallel_loop3A_376 : i32 to index
        %parallel_loop3A_385 = arith.index_cast %parallel_loop3A_379 : i32 to index
        %parallel_loop3A_386 = tpu.vector_load %arg6[%parallel_loop3A_384, %parallel_loop3A_385] {strides = array<i32>} : memref<16x1024xf32, #tpu.memory_space<vmem>>, vector<1x16xf32>,
        %parallel_loop3A_387 = vector.shape_cast %parallel_loop3A_386 : vector<1x16xf32> to vector<16xf32>
        %parallel_loop3A_388 = arith.addf %parallel_loop3A_383, %parallel_loop3A_387 : vector<16xf32>
        %parallel_loop3A_389 = arith.index_cast %parallel_loop3A_376 : i32 to index
        %parallel_loop3A_390 = arith.index_cast %parallel_loop3A_379 : i32 to index
        %parallel_loop3A_391 = tpu.vector_load %arg9[%parallel_loop3A_389, %parallel_loop3A_390] {strides = array<i32>} : memref<16x1024xf32, #tpu.memory_space<vmem>>, vector<1x16xf32>,
        %parallel_loop3A_392 = vector.shape_cast %parallel_loop3A_391 : vector<1x16xf32> to vector<16xf32>
        %parallel_loop3A_393 = vector.shape_cast %parallel_loop3A_388 : vector<16xf32> to vector<1x16xf32>
        tpu.vector_store %arg9[%parallel_loop3A_389, %parallel_loop3A_390], %parallel_loop3A_393 {strides = array<i32>} : memref<16x1024xf32, #tpu.memory_space<vmem>>, vector<1x16xf32>,
      } {sc.loop_unroll_factor = 8 : i64, sc.parallel_access}
      %lt3A_326 = arith.constant 7 : i32
      %lt3A_327 = arith.cmpi slt, %scan3A_48, %lt3A_326 : i32
      %convert_element_type3A_328 = arith.extui %lt3A_327 : i1 to i32
      %cond3A_329 = arith.constant 0 : i32
      %cond3A_330 = arith.cmpi ne, %convert_element_type3A_328, %cond3A_329 : i32
      scf.if %cond3A_330 {
        %add3A_374 = arith.constant 1 : i32
        %add3A_375 = arith.addi %scan3A_48, %add3A_374 : i32
        %mul3A_376 = arith.constant 2 : i32
        %mul3A_377 = arith.muli %mul3A_376, %add3A_375 : i32
        %mul3A_378 = arith.constant 16 : i32
        %mul3A_379 = arith.muli %mul3A_377, %mul3A_378 : i32
        %add3A_380 = arith.addi %mul3A_2, %mul3A_379 : i32
        %dma_start3A_381 = arith.constant 0 : i32
        %dma_start3A_382 = arith.constant 0 : i32
        %dma_start3A_383 = tpu.memref_slice %arg2[%dma_start3A_381, %add3A_380, %dma_start3A_382] : memref<4x8192x1024xf32, #tpu.memory_space<hbm>> -> memref<1x16x1024xf32, #tpu.memory_space<hbm>>
        %dma_start3A_384 = tpu.memref_squeeze %dma_start3A_383 : memref<1x16x1024xf32, #tpu.memory_space<hbm>> -> memref<16x1024xf32, #tpu.memory_space<hbm>>
        %dma_start3A_385 = arith.constant 0 : i32
        %dma_start3A_386 = tpu.memref_slice %arg2[%dma_start3A_381, %add3A_380, %dma_start3A_385] : memref<4x8192x1024xf32, #tpu.memory_space<hbm>> -> memref<1x16x1024xf32, #tpu.memory_space<hbm>>
        %dma_start3A_387 = tpu.memref_squeeze %dma_start3A_386 : memref<1x16x1024xf32, #tpu.memory_space<hbm>> -> memref<16x1024xf32, #tpu.memory_space<hbm>>
        tpu.enqueue_dma source(%dma_start3A_387 : memref<16x1024xf32, #tpu.memory_space<hbm>>) target(%arg7 : memref<16x1024xf32, #tpu.memory_space<vmem>>) target_semaphore(%arg13 : memref<!tpu.dma_semaphore, #tpu.memory_space<semaphore_mem>>)
      } else {
      }
      %mul3A_331 = arith.constant 16 : i32
      %mul3A_332 = arith.muli %add3A_221, %mul3A_331 : i32
      %add3A_333 = arith.addi %mul3A_2, %mul3A_332 : i32
      %dma_start3A_334 = arith.constant 2 : i32
      %dma_start3A_335 = arith.constant 0 : i32
      %dma_start3A_336 = tpu.memref_slice %arg4[%dma_start3A_334, %add3A_333, %dma_start3A_335] : memref<4x8192x1024xf32, #tpu.memory_space<hbm>> -> memref<1x16x1024xf32, #tpu.memory_space<hbm>>
      %dma_start3A_337 = tpu.memref_squeeze %dma_start3A_336 : memref<1x16x1024xf32, #tpu.memory_space<hbm>> -> memref<16x1024xf32, #tpu.memory_space<hbm>>
      %dma_start3A_338 = arith.constant 0 : i32
      %dma_start3A_339 = tpu.memref_slice %arg4[%dma_start3A_334, %add3A_333, %dma_start3A_338] : memref<4x8192x1024xf32, #tpu.memory_space<hbm>> -> memref<1x16x1024xf32, #tpu.memory_space<hbm>>
      %dma_start3A_340 = tpu.memref_squeeze %dma_start3A_339 : memref<1x16x1024xf32, #tpu.memory_space<hbm>> -> memref<16x1024xf32, #tpu.memory_space<hbm>>
      tpu.enqueue_dma source(%arg9 : memref<16x1024xf32, #tpu.memory_space<vmem>>) target(%dma_start3A_340 : memref<16x1024xf32, #tpu.memory_space<hbm>>) target_semaphore(%arg15 : memref<!tpu.dma_semaphore, #tpu.memory_space<semaphore_mem>>)
      %dma_wait3A_341 = arith.constant 0 : i32
      %dma_wait3A_342 = arith.constant 0 : i32
      %dma_wait3A_343 = tpu.memref_slice %arg3[%dma_wait3A_341, %dma_wait3A_342] : memref<8192x1024xf32, #tpu.memory_space<hbm>> -> memref<16x1024xf32, #tpu.memory_space<hbm>>
      %dma_wait3A_344 = arith.constant 0 : i32
      %dma_wait3A_345 = arith.constant 0 : i32
      %dma_wait3A_346 = tpu.memref_slice %arg3[%dma_wait3A_344, %dma_wait3A_345] : memref<8192x1024xf32, #tpu.memory_space<hbm>> -> memref<16x1024xf32, #tpu.memory_space<hbm>>
      tpu.wait_dma2 semaphore(%arg14 : memref<!tpu.dma_semaphore, #tpu.memory_space<semaphore_mem>>) src(%dma_wait3A_346 : memref<16x1024xf32, #tpu.memory_space<hbm>>) dst(%arg8 : memref<16x1024xf32, #tpu.memory_space<vmem>>)
      %dma_wait3A_347 = arith.constant 0 : i32
      %dma_wait3A_348 = arith.constant 0 : i32
      %dma_wait3A_349 = arith.constant 0 : i32
      %dma_wait3A_350 = tpu.memref_slice %arg4[%dma_wait3A_347, %dma_wait3A_348, %dma_wait3A_349] : memref<4x8192x1024xf32, #tpu.memory_space<hbm>> -> memref<1x16x1024xf32, #tpu.memory_space<hbm>>
      %dma_wait3A_351 = tpu.memref_squeeze %dma_wait3A_350 : memref<1x16x1024xf32, #tpu.memory_space<hbm>> -> memref<16x1024xf32, #tpu.memory_space<hbm>>
      %dma_wait3A_352 = arith.constant 0 : i32
      %dma_wait3A_353 = arith.constant 0 : i32
      %dma_wait3A_354 = tpu.memref_slice %arg4[%dma_wait3A_347, %dma_wait3A_352, %dma_wait3A_353] : memref<4x8192x1024xf32, #tpu.memory_space<hbm>> -> memref<1x16x1024xf32, #tpu.memory_space<hbm>>
      %dma_wait3A_355 = tpu.memref_squeeze %dma_wait3A_354 : memref<1x16x1024xf32, #tpu.memory_space<hbm>> -> memref<16x1024xf32, #tpu.memory_space<hbm>>
      tpu.wait_dma2 semaphore(%arg16 : memref<!tpu.dma_semaphore, #tpu.memory_space<semaphore_mem>>) src(%arg10 : memref<16x1024xf32, #tpu.memory_space<vmem>>) dst(%dma_wait3A_355 : memref<16x1024xf32, #tpu.memory_space<hbm>>)
      %parallel_loop3A_356 = arith.constant 0 : i32
      %parallel_loop3A_357 = arith.constant 16384 : i32
      %parallel_loop3A_358 = arith.constant 16 : i32
      scf.for %parallel_loop3A_374 = %parallel_loop3A_356 to %parallel_loop3A_357 step %parallel_loop3A_358  : i32 {
        %parallel_loop3A_375 = arith.constant 10 : i32
        %parallel_loop3A_376 = arith.shrui %parallel_loop3A_374, %parallel_loop3A_375 : i32
        %parallel_loop3A_377 = arith.constant 1023 : i32
        %parallel_loop3A_378 = arith.andi %parallel_loop3A_374, %parallel_loop3A_377 : i32
        %parallel_loop3A_379 = tpu.assume_multiple %parallel_loop3A_378, 16 : i32
        %parallel_loop3A_380 = arith.index_cast %parallel_loop3A_376 : i32 to index
        %parallel_loop3A_381 = arith.index_cast %parallel_loop3A_379 : i32 to index
        %parallel_loop3A_382 = tpu.vector_load %arg8[%parallel_loop3A_380, %parallel_loop3A_381] {strides = array<i32>} : memref<16x1024xf32, #tpu.memory_space<vmem>>, vector<1x16xf32>,
        %parallel_loop3A_383 = vector.shape_cast %parallel_loop3A_382 : vector<1x16xf32> to vector<16xf32>
        %parallel_loop3A_384 = arith.index_cast %parallel_loop3A_376 : i32 to index
        %parallel_loop3A_385 = arith.index_cast %parallel_loop3A_379 : i32 to index
        %parallel_loop3A_386 = tpu.vector_load %arg6[%parallel_loop3A_384, %parallel_loop3A_385] {strides = array<i32>} : memref<16x1024xf32, #tpu.memory_space<vmem>>, vector<1x16xf32>,
        %parallel_loop3A_387 = vector.shape_cast %parallel_loop3A_386 : vector<1x16xf32> to vector<16xf32>
        %parallel_loop3A_388 = arith.addf %parallel_loop3A_383, %parallel_loop3A_387 : vector<16xf32>
        %parallel_loop3A_389 = arith.index_cast %parallel_loop3A_376 : i32 to index
        %parallel_loop3A_390 = arith.index_cast %parallel_loop3A_379 : i32 to index
        %parallel_loop3A_391 = tpu.vector_load %arg10[%parallel_loop3A_389, %parallel_loop3A_390] {strides = array<i32>} : memref<16x1024xf32, #tpu.memory_space<vmem>>, vector<1x16xf32>,
        %parallel_loop3A_392 = vector.shape_cast %parallel_loop3A_391 : vector<1x16xf32> to vector<16xf32>
        %parallel_loop3A_393 = vector.shape_cast %parallel_loop3A_388 : vector<16xf32> to vector<1x16xf32>
        tpu.vector_store %arg10[%parallel_loop3A_389, %parallel_loop3A_390], %parallel_loop3A_393 {strides = array<i32>} : memref<16x1024xf32, #tpu.memory_space<vmem>>, vector<1x16xf32>,
      } {sc.loop_unroll_factor = 8 : i64, sc.parallel_access}
      %lt3A_359 = arith.constant 7 : i32
      %lt3A_360 = arith.cmpi slt, %scan3A_48, %lt3A_359 : i32
      %convert_element_type3A_361 = arith.extui %lt3A_360 : i1 to i32
      %cond3A_362 = arith.constant 0 : i32
      %cond3A_363 = arith.cmpi ne, %convert_element_type3A_361, %cond3A_362 : i32
      scf.if %cond3A_363 {
        %add3A_374 = arith.constant 1 : i32
        %add3A_375 = arith.addi %scan3A_48, %add3A_374 : i32
        %mul3A_376 = arith.constant 2 : i32
        %mul3A_377 = arith.muli %mul3A_376, %add3A_375 : i32
        %mul3A_378 = arith.constant 16 : i32
        %mul3A_379 = arith.muli %mul3A_377, %mul3A_378 : i32
        %add3A_380 = arith.addi %mul3A_2, %mul3A_379 : i32
        %dma_start3A_381 = arith.constant 1 : i32
        %dma_start3A_382 = arith.constant 0 : i32
        %dma_start3A_383 = tpu.memref_slice %arg2[%dma_start3A_381, %add3A_380, %dma_start3A_382] : memref<4x8192x1024xf32, #tpu.memory_space<hbm>> -> memref<1x16x1024xf32, #tpu.memory_space<hbm>>
        %dma_start3A_384 = tpu.memref_squeeze %dma_start3A_383 : memref<1x16x1024xf32, #tpu.memory_space<hbm>> -> memref<16x1024xf32, #tpu.memory_space<hbm>>
        %dma_start3A_385 = arith.constant 0 : i32
        %dma_start3A_386 = tpu.memref_slice %arg2[%dma_start3A_381, %add3A_380, %dma_start3A_385] : memref<4x8192x1024xf32, #tpu.memory_space<hbm>> -> memref<1x16x1024xf32, #tpu.memory_space<hbm>>
        %dma_start3A_387 = tpu.memref_squeeze %dma_start3A_386 : memref<1x16x1024xf32, #tpu.memory_space<hbm>> -> memref<16x1024xf32, #tpu.memory_space<hbm>>
        tpu.enqueue_dma source(%dma_start3A_387 : memref<16x1024xf32, #tpu.memory_space<hbm>>) target(%arg8 : memref<16x1024xf32, #tpu.memory_space<vmem>>) target_semaphore(%arg14 : memref<!tpu.dma_semaphore, #tpu.memory_space<semaphore_mem>>)
      } else {
      }
      %mul3A_364 = arith.constant 16 : i32
      %mul3A_365 = arith.muli %add3A_221, %mul3A_364 : i32
      %add3A_366 = arith.addi %mul3A_2, %mul3A_365 : i32
      %dma_start3A_367 = arith.constant 3 : i32
      %dma_start3A_368 = arith.constant 0 : i32
      %dma_start3A_369 = tpu.memref_slice %arg4[%dma_start3A_367, %add3A_366, %dma_start3A_368] : memref<4x8192x1024xf32, #tpu.memory_space<hbm>> -> memref<1x16x1024xf32, #tpu.memory_space<hbm>>
      %dma_start3A_370 = tpu.memref_squeeze %dma_start3A_369 : memref<1x16x1024xf32, #tpu.memory_space<hbm>> -> memref<16x1024xf32, #tpu.memory_space<hbm>>
      %dma_start3A_371 = arith.constant 0 : i32
      %dma_start3A_372 = tpu.memref_slice %arg4[%dma_start3A_367, %add3A_366, %dma_start3A_371] : memref<4x8192x1024xf32, #tpu.memory_space<hbm>> -> memref<1x16x1024xf32, #tpu.memory_space<hbm>>
      %dma_start3A_373 = tpu.memref_squeeze %dma_start3A_372 : memref<1x16x1024xf32, #tpu.memory_space<hbm>> -> memref<16x1024xf32, #tpu.memory_space<hbm>>
      tpu.enqueue_dma source(%arg10 : memref<16x1024xf32, #tpu.memory_space<vmem>>) target(%dma_start3A_373 : memref<16x1024xf32, #tpu.memory_space<hbm>>) target_semaphore(%arg16 : memref<!tpu.dma_semaphore, #tpu.memory_space<semaphore_mem>>)
    }
    %scan3A_30 = arith.constant 8 : i32
    %dma_wait3A = arith.constant 0 : i32
    %dma_wait3A_31 = arith.constant 0 : i32
    %dma_wait3A_32 = arith.constant 0 : i32
    %dma_wait3A_33 = tpu.memref_slice %arg4[%dma_wait3A, %dma_wait3A_31, %dma_wait3A_32] : memref<4x8192x1024xf32, #tpu.memory_space<hbm>> -> memref<1x16x1024xf32, #tpu.memory_space<hbm>>
    %dma_wait3A_34 = tpu.memref_squeeze %dma_wait3A_33 : memref<1x16x1024xf32, #tpu.memory_space<hbm>> -> memref<16x1024xf32, #tpu.memory_space<hbm>>
    %dma_wait3A_35 = arith.constant 0 : i32
    %dma_wait3A_36 = arith.constant 0 : i32
    %dma_wait3A_37 = tpu.memref_slice %arg4[%dma_wait3A, %dma_wait3A_35, %dma_wait3A_36] : memref<4x8192x1024xf32, #tpu.memory_space<hbm>> -> memref<1x16x1024xf32, #tpu.memory_space<hbm>>
    %dma_wait3A_38 = tpu.memref_squeeze %dma_wait3A_37 : memref<1x16x1024xf32, #tpu.memory_space<hbm>> -> memref<16x1024xf32, #tpu.memory_space<hbm>>
    tpu.wait_dma2 semaphore(%arg15 : memref<!tpu.dma_semaphore, #tpu.memory_space<semaphore_mem>>) src(%arg9 : memref<16x1024xf32, #tpu.memory_space<vmem>>) dst(%dma_wait3A_38 : memref<16x1024xf32, #tpu.memory_space<hbm>>)
    %dma_wait3A_39 = arith.constant 0 : i32
    %dma_wait3A_40 = arith.constant 0 : i32
    %dma_wait3A_41 = arith.constant 0 : i32
    %dma_wait3A_42 = tpu.memref_slice %arg4[%dma_wait3A_39, %dma_wait3A_40, %dma_wait3A_41] : memref<4x8192x1024xf32, #tpu.memory_space<hbm>> -> memref<1x16x1024xf32, #tpu.memory_space<hbm>>
    %dma_wait3A_43 = tpu.memref_squeeze %dma_wait3A_42 : memref<1x16x1024xf32, #tpu.memory_space<hbm>> -> memref<16x1024xf32, #tpu.memory_space<hbm>>
    %dma_wait3A_44 = arith.constant 0 : i32
    %dma_wait3A_45 = arith.constant 0 : i32
    %dma_wait3A_46 = tpu.memref_slice %arg4[%dma_wait3A_39, %dma_wait3A_44, %dma_wait3A_45] : memref<4x8192x1024xf32, #tpu.memory_space<hbm>> -> memref<1x16x1024xf32, #tpu.memory_space<hbm>>
    %dma_wait3A_47 = tpu.memref_squeeze %dma_wait3A_46 : memref<1x16x1024xf32, #tpu.memory_space<hbm>> -> memref<16x1024xf32, #tpu.memory_space<hbm>>
    tpu.wait_dma2 semaphore(%arg16 : memref<!tpu.dma_semaphore, #tpu.memory_space<semaphore_mem>>) src(%arg10 : memref<16x1024xf32, #tpu.memory_space<vmem>>) dst(%dma_wait3A_47 : memref<16x1024xf32, #tpu.memory_space<hbm>>)
    return
  }
}

</mosaic_0001>

<sc_bundles>
// kernel: kernel.3.cloned.1.call-start
scs
__scs_entry_jumppad:
0x0: {  	(pc) =	sbr.rel $0x88, $3  }
0x1: {  	(tag) =	ssettag $0x0;
	lr =	simm.s32 $0x1  }
0x2: {  	[smem:$0x3F9F] =	sst lr;
	_ =	strace $0xD0000000  }
0x3: {  	_ = 	snop  }
0x4: {  	_ = 	snop  }
0x5: {  	_ = 	snop  }
0x6: {  	_ = 	snop  }
0x7: {  	_ = 	snop  }
__scs_overlays_trampoline_lowered:
0x8: {  	[smem:$0x3FAE] =	sst s0  }
0x9: {  	[smem:$0x3FAF] =	sst s1  }
0xa: {  	[smem:$0x3FB0] =	sst s2  }
0xb: {  	[smem:$0x3FB1] =	sst s3  }
0xc: {  	[smem:$0x3FB2] =	sst s4  }
0xd: {  	[smem:$0x3FB3] =	sst s5  }
0xe: {  	[smem:$0x3FB4] =	sst s6  }
0xf: {  	[smem:$0x3FB5] =	sst s7  }
0x10: {  	[smem:$0x3FB6] =	sst s8  }
0x11: {  	[smem:$0x3FB7] =	sst s9;
	s0 =	simm.s32 @!p0 $0x0  }
0x12: {  	s1 =	sld [smem:$0x3F9D];
	s0 =	simm.s32 @p0 $0x1  }
0x13: {  	[smem:$0x3FB8] =	sst s0;
	s0 =	simm.s32 @!p1 $0x0  }
0x14: {  	s2 =	sld [smem:$0x3F9C];
	s0 =	simm.s32 @p1 $0x1  }
0x15: {  	[smem:$0x3FB9] =	sst s0;
	s0 =	simm.s32 @!p2 $0x0  }
0x16: {  	s3 =	sld [smem:$0x3FDB];
	s0 =	simm.s32 @p2 $0x1  }
0x17: {  	s4 =	simm.s32 $0x1BF5;
	[smem:$0x3FBB] =	sst s0  }
0x18: {  	s0 =	sld [smem:$0x3F9E];
	_ =	swait.ge [sflag:s4], $0x0  }
0x19: {  	s7 =	sld [smem:$0x3F9F]  }
0x1a: {  	s8 =	sadd.s32 $0xFFFFE003, lr  }
0x1b: {  	s9 =	sadd.s32 $0xFFFFFEF7, lr;
	s5 =	simm.s32 $0xFFFFFFFF;
	p2 =	slt.u32 s8, $0xFFFFF086  }
0x1c: {  	p1 =	slt.u32 s9, $0xF7A;
	s5 =	simm.s32 @!p2 $0x0  }
0x1d: {  	s5 =	simm.s32 @p1 $0x1;
	p0 =	seq.s32 s7, s2  }
0x1e: {  	s7 =	smul.u32 @!p0 $0xF7A, s2;
	p2 =	seq.s32 @!p0 s5, $0x0  }
0x1f: {  	s9 =	smul.u32 $0xF7A, s1;
	s8 =	simm.s32 @!p0 $0x1BF5;
	p2 =	por !p2, p0  }
0x20: {  	[sflag:s8] =	ssyncset.s32 @!p0 $0xFFFFF086;
	s6 =	sadd.s32 @!p0 s3, s7;
	s7 =	simm.s32 @!p0 $0x108  }
0x21: {  	s3 =	sadd.s32 s3, s9;
	s6 =	sadd.s32 @!p0 $0x88, s6;
	s7 =	simm.s32 @p2 $0x1082  }
0x22: {  	[simem:s7], [sflag:s8] =	dma.local @!p0 [hbm:s6], $0xF7A  }
0x23: {  	s9 =	sor.u32 $0xD0000000, s2;
	s6 =	simm.s32 $0x108;
	_ =	swait.ge @!p0 [sflag:s8], $0x0  }
0x24: {  	s3 =	sadd.s32 $0x88, s3;
	s6 =	simm.s32 @!p1 $0x1082;
	[sflag:s4] =	ssyncset.s32 $0xFFFFF086  }
0x25: {  	[simem:s6], [sflag:s4] =	dma.local [hbm:s3], $0xF7A  }
0x26: {  	[smem:$0x3F9F] =	sst s1;
	(tag) =	ssettag s2;
	_ =	strace s9  }
0x27: {  	s1 =	sld [smem:$0x3FAF]  }
0x28: {  	s2 =	sld [smem:$0x3FB0]  }
0x29: {  	s4 =	sld [smem:$0x3FB2]  }
0x2a: {  	p0 =	seq.s32 s5, $0x0;
	s5 =	sld [smem:$0x3FB3]  }
0x2b: {  	s6 =	sld [smem:$0x3FB4]  }
0x2c: {  	s7 =	sld [smem:$0x3FB5]  }
0x2d: {  	s3 =	simm.s32 $0x108;
	s8 =	sld [smem:$0x3FB6]  }
0x2e: {  	s3 =	simm.s32 @!p0 $0x1082;
	s9 =	sld [smem:$0x3FB7]  }
0x2f: {  	lr =	sadd.s32 s0, s3;
	s0 =	sld [smem:$0x3FAE]  }
0x30: {  	s3 =	sld [smem:$0x3FB1]  }
0x31: {  	[smem:$0x3FBA] =	sst s10  }
0x32: {  	s10 =	sld [smem:$0x3FB8];
	_ =	sdelay $0x3  }
0x33: {  	p0 =	seq.s32 s10, $0x1;
	s10 =	sld [smem:$0x3FBA];
	_ =	sdelay $0x3  }
0x34: {  	[smem:$0x3FBA] =	sst s10  }
0x35: {  	s10 =	sld [smem:$0x3FB9];
	_ =	sdelay $0x3  }
0x36: {  	p1 =	seq.s32 s10, $0x1;
	s10 =	sld [smem:$0x3FBA];
	_ =	sdelay $0x3  }
0x37: {  	[smem:$0x3FBA] =	sst s10  }
0x38: {  	s10 =	sld [smem:$0x3FBB]  }
0x39: {  	_ = 	snop;
	(pc) =	sbr.ind lr, $3  }
0x3a: {  	_ = 	snop  }
0x3b: {  	_ = 	snop  }
0x3c: {  	p2 =	seq.s32 s10, $0x1;
	s10 =	sld [smem:$0x3FBA]  }
0x3d: {  	_ =	shalt  }
0x3e: {  	_ =	shalt  }
0x3f: {  	_ =	shalt  }
0x40: {  	_ =	shalt  }
0x41: {  	_ =	shalt  }
0x42: {  	_ =	shalt  }
0x43: {  	_ =	shalt  }
0x44: {  	_ =	shalt  }
0x45: {  	_ =	shalt  }
0x46: {  	_ =	shalt  }
0x47: {  	_ =	shalt  }
0x48: {  	_ =	shalt  }
0x49: {  	_ =	shalt  }
0x4a: {  	_ =	shalt  }
0x4b: {  	_ =	shalt  }
0x4c: {  	_ =	shalt  }
0x4d: {  	_ =	shalt  }
0x4e: {  	_ =	shalt  }
0x4f: {  	_ =	shalt  }
0x50: {  	_ =	shalt  }
0x51: {  	_ =	shalt  }
0x52: {  	_ =	shalt  }
0x53: {  	_ =	shalt  }
0x54: {  	_ =	shalt  }
0x55: {  	_ =	shalt  }
0x56: {  	_ =	shalt  }
0x57: {  	_ =	shalt  }
0x58: {  	_ =	shalt  }
0x59: {  	_ =	shalt  }
0x5a: {  	_ =	shalt  }
0x5b: {  	_ =	shalt  }
0x5c: {  	_ =	shalt  }
0x5d: {  	_ =	shalt  }
0x5e: {  	_ =	shalt  }
0x5f: {  	_ =	shalt  }
0x60: {  	_ =	shalt  }
0x61: {  	_ =	shalt  }
0x62: {  	_ =	shalt  }
0x63: {  	_ =	shalt  }
0x64: {  	_ =	shalt  }
0x65: {  	_ =	shalt  }
0x66: {  	_ =	shalt  }
0x67: {  	_ =	shalt  }
0x68: {  	_ =	shalt  }
0x69: {  	_ =	shalt  }
0x6a: {  	_ =	shalt  }
0x6b: {  	_ =	shalt  }
0x6c: {  	_ =	shalt  }
0x6d: {  	_ =	shalt  }
0x6e: {  	_ =	shalt  }
0x6f: {  	_ =	shalt  }
0x70: {  	_ =	shalt  }
0x71: {  	_ =	shalt  }
0x72: {  	_ =	shalt  }
0x73: {  	_ =	shalt  }
0x74: {  	_ =	shalt  }
0x75: {  	_ =	shalt  }
0x76: {  	_ =	shalt  }
0x77: {  	_ =	shalt  }
0x78: {  	_ =	shalt  }
0x79: {  	_ =	shalt  }
0x7a: {  	_ =	shalt  }
0x7b: {  	_ =	shalt  }
0x7c: {  	_ =	shalt  }
0x7d: {  	_ =	shalt  }
0x7e: {  	_ =	shalt  }
0x7f: {  	_ =	shalt  }
0x80: {  	_ =	shalt  }
0x81: {  	_ =	shalt  }
0x82: {  	_ =	shalt  }
0x83: {  	_ =	shalt  }
0x84: {  	_ =	shalt  }
0x85: {  	_ =	shalt  }
0x86: {  	_ =	shalt  }
0x87: {  	_ =	shalt  }
.Lfunc_end0:
.L_simem_size_0:
called_computation_lowered:
.L_overlay_start_0:
0x88: {  	s2 =	sld [smem:$0x3FD9]  }
0x89: {  	s3 =	sld [smem:$0x3FFE];
	_ =	sdelay $0x1  }
0x8a: {  	s1 =	srdreg.scid  }
0x8b: {  	s0 =	sand.u32 $0x1, s1  }
0x8c: {  	s18 =	sshll.u32 s0, $0xA;
	s2 =	sadd.s32 s3, s2  }
0x8d: {  	s2 =	sadd.s32 s2, s18  }
0x8e: {  	[smem:$0x3FC6] =	sst s2  }
0x8f: {  	_ = 	snop  }
0x90: {  	s2 =	sld [smem:$0x3FC9]  }
0x91: {  	s19 =	sld [smem:$0x3FC8]  }
0x92: {  	s4 =	sld [smem:$0x3FD0];
	(tm) =	ssettm $0x1  }
0x93: {  	s5 =	sld [smem:$0x3FFB];
	_ =	sdelay $0x3  }
0x94: {  	_ =	strace s5  }
0x95: {  	s5 =	sld [smem:$0x3FFC];
	_ =	sdelay $0x3  }
0x96: {  	_ =	strace s5  }
0x97: {  	s5 =	sld [smem:$0x3FFD];
	_ =	sdelay $0x3  }
0x98: {  	_ =	strace s5  }
0x99: {  	_ =	strace $0x8FFFFFFF  }
0x9a: {  	s20 =	sld [smem:$0x3FDB];
	_ =	sdelay $0x1  }
0x9b: {  	s6 =	simm.s32 $_scs_section_size  }
0x9c: {  	s7 =	simm.s32 $_size__tile_overlayer_lowered;
	s8 =	simm.s32 $_tile_overlayer_lowered  }
0x9d: {  	s23 =	simm.s32 $0x1BFF;
	s22 =	sshll.u32 s8, $0x1;
	s5 =	sadd.s32 s6, s20  }
0x9e: {  	s9 =	simm.s32 $0x0;
	s21 =	sshll.u32 s7, $0x1;
	s7 =	sadd.s32 s22, s5  }
0x9f: {  	[timem:s9], [sflag:s23] =	dma.local [hbm:s7], s21  }
0xa0: {  	_ =	swait.ge [sflag:s23], s21  }
0xa1: {  	s6 =	ssub.s32 $0x0, s21;
	[sflag:s23] =	ssyncset.done $0x0  }
0xa2: {  	[sflag:s23] =	ssyncadd.s32 s6;
	_ =	sdelay $0x1  }
0xa3: {  	s24 =	simm.s32 $0x1B8B  }
0xa4: {  	_ =	swait.ge [sflag:s24], $0x1  }
0xa5: {  	[sflag:s24] =	ssyncset.done $0x0  }
0xa6: {  	s25 =	simm.s32 $0x1B8E;
	[sflag:s24] =	ssyncadd.s32 $0xFFFFFFFF  }
0xa7: {  	s26 =	simm.s32 $execute0_lowered;
	[smem:$0x3FD2] =	sst s25  }
0xa8: {  	s6 =	sshll.u32 s26, $0x1;
	_ =	strace $0x80000046;
	[dreg:$0x1] =	wrdreg $0xFFFFFFFF  }
0xa9: {  	s28 =	simm.s32 $_size_execute0_lowered;
	s5 =	sadd.s32 s5, s6;
	[dreg:$0x0] =	wrdreg $0x0  }
0xaa: {  	s6 =	sshll.u32 s28, $0x1;
	[dreg:$0x2] =	wrdreg s5  }
0xab: {  	[dreg:$0x3] =	wrdreg s6  }
0xac: {  	[dreg:$0x4] =	wrdreg $0xC0  }
0xad: {  	_ =	task [dreg:s9], $0x5FFFF  }
0xae: {  	[dreg:$0x1] =	wrdreg $0xFFFFFFFF  }
0xaf: {  	[dreg:$0x0] =	wrdreg $0x60  }
0xb0: {  	[dreg:$0x2] =	wrdreg s2  }
0xb1: {  	[dreg:$0x3] =	wrdreg s19  }
0xb2: {  	[dreg:$0x4] =	wrdreg s4  }
0xb3: {  	[dreg:$0x5] =	wrdreg $0x9  }
0xb4: {  	_ =	task.clear_ibuf [dreg:s9], $0x6FFFF;
	_ =	strace $0x90000046  }
0xb5: {  	s29 =	simm.s32 $0x9;
	_ =	strace $0x80000048  }
0xb6: {  	_ =	swait.ge [sflag:s29], $0x1  }
0xb7: {  	[sflag:s29] =	ssyncadd.s32 $0xFFFFFFFF  }
0xb8: {  	_ =	strace $0x90000048  }
0xb9: {  	_ =	sfence  }
0xba: {  	s30 =	sld [smem:$0x0];
	_ =	sdelay $0x2  }
0xbb: {  	s31 =	sshll.u32 s1, $0xD;
	s1 =	sshrl.u32 s1, $0x2  }
0xbc: {  	s3 =	sand.u32 $0x4000, s31;
	s1 =	sadd.s32 s1, s30  }
0xbd: {  	s0 =	sor.u32 s3, s0;
	s1 =	sshll.u32 s1, $0x11  }
0xbe: {  	s0 =	sor.u32 s1, s0  }
0xbf: {  	s0 =	sadd.s32 $0x8F2B, s0  }
0xc0: {  	[sflag:s0] =	ssyncadd.remote.s32 $0x1  }
0xc1: {  	_ =	sfence.sel $0xFFFF  }
0xc2: {  	[dreg:$0x0] =	wrdreg $0xFFFFFFFF;
	(pc) =	sbr.abs _section_cstart, $3  }
0xc3: {  	[dreg:$0x1] =	wrdreg $0xFFFFFFFF  }
0xc4: {  	_ =	task.clear_ibuf [dreg:s9], $0x2FFFF;
	_ =	strace $0x9FFFFFFF  }
0xc5: {  	(tm) =	ssettm $0x7FFFFFFF  }
tec
execute0_lowered:
.L_overlay_start_1:
0x0: {  	(tag) =	ssettag $0x1  }
0x1: {  	s1 =	rddreg [dreg:$0x0]  }
0x2: {  	s2 =	rddreg [dreg:$0x1]  }
0x3: {  	s3 =	rddreg [dreg:$0x2];
	s5 =	simm.s32 $0x0;
	s0 =	srdreg.scid  }
0x4: {  	s6 =	stileid.u32;
	s15 =	simm.s32 $0x8000;
	s16 =	simm.s32 $0xC000  }
0x5: {  	s17 =	simm.s32 $0x3;
	s18 =	simm.s32 $0x1;
	s20 =	simm.s32 $0x10000  }
0x6: {  	s21 =	simm.s32 $0x4;
	s22 =	simm.s32 $0x14000;
	s0 =	sand.u32 $0x1, s0  }
0x7: {  	s6 =	sshll.u32 s6, $0x9;
	s4 =	ssub.s32 $0x2, s0;
	s0 =	sshll.u32 s0, $0x8  }
0x8: {  	s23 =	simm.s32 $0x5;
	s7 =	sshrl.u32 s4, $0x1;
	s6 =	sor.u32 s0, s6  }
0x9: {  	s24 =	simm.s32 $0x6;
	s28 =	ssub.s32 s4, s7;
	s7 =	sshll.u32 s6, $0x7  }
0xa: {  	[smem:$0x7FF] =	sst s5;
	s8 =	sadd.s32 $0x100000, s1;
	s29 =	sadd.s32 s2, s7  }
0xb: {  	_ =	strace $0x80000047;
	s30 =	sadd.s32 s1, s7;
	[dreg:$0x4] =	wrdreg s29  }
0xc: {  	s25 =	simm.s32 $0x2;
	s31 =	sadd.s32 s7, s8;
	[dreg:$0x5] =	wrdreg s30  }
0xd: {  	s12 =	sadd.s32 $0x100000, s3;
	s0 =	smax.u32 s28, $0x1;
	[dreg:$0x6] =	wrdreg s31  }
0xe: {  	s13 =	sor.u32 $0x20, s6;
	s4 =	simm.s32 $0x0;
	[dreg:$0x7] =	wrdreg s0  }
.LBB2_1:
0xf: {  	[dreg:$0x8] =	wrdreg s4  }
0x10: {  	s0 =	rddreg [dreg:$0x4]  }
0x11: {  	[tilespmem:s5], [sflag:$0x1] =	stream.linear.gather [hbm4b:s0+s5], $0x4000, $0x38;
	[tilespmem:$0x18000] =	vst v63  }
0x12: {  	s30 =	rddreg [dreg:$0x5]  }
0x13: {  	[tilespmem:s15], [sflag:$0x3] =	stream.linear.gather [hbm4b:s30+s5], $0x4000, $0x38;
	[tilespmem:$0x18000] =	vst v63  }
0x14: {  	s31 =	rddreg [dreg:$0x6];
	s28 =	simm.s32 $0x0  }
0x15: {  	[tilespmem:s16], [sflag:$0x4] =	stream.linear.gather [hbm4b:s31+s5], $0x4000, $0x38;
	[tilespmem:$0x18000] =	vst v63  }
.LBB2_2:
0x16: {  	_ =	swait.ge [sflag:s17], $0x4000  }
0x17: {  	[sflag:s17] =	ssyncset.done $0x0  }
0x18: {  	[sflag:s17] =	ssyncadd.s32 $0xFFFFC000  }
0x19: {  	_ =	swait.ge [sflag:s18], $0x4000  }
0x1a: {  	p0 =	seq.s32 s28, $0x0;
	s0 =	simm.s32 $0x0;
	[sflag:s18] =	ssyncset.done $0x0  }
0x1b: {  	s9 =	simm.s32 $0x0;
	s4 =	simm.s32 @!p0 $0x5;
	[sflag:s18] =	ssyncadd.s32 $0xFFFFC000  }
0x1c: {  	s10 =	sand.u32 $0x2000, s9;
	s11 =	sand.u32 $0x1C00, s0;
	_ =	swait.ge @!p0 [sflag:s4], $0x4000  }
0x1d: {  	s31 =	sand.u32 $0x380, s0;
	s10 =	sor.u32 s10, s11;
	[sflag:s4] =	ssyncset.done @!p0 $0x0  }
0x1e: {  	[sflag:s4] =	ssyncadd.s32 @!p0 $0xFFFFC000;
	s4 =	sor.u32 s31, s10  }
0x1f: {  	v0 =	vld [tilespmem:s4+$0x8070]  }
0x20: {  	v1 =	vld [tilespmem:s4+$0x70]  }
0x21: {  	v3 =	vld [tilespmem:s4+$0x8000]  }
0x22: {  	v4 =	vld [tilespmem:s4+$0x0]  }
0x23: {  	v6 =	vld [tilespmem:s4+$0x8010]  }
0x24: {  	v7 =	vld [tilespmem:s4+$0x10]  }
0x25: {  	v2 =	vld [tilespmem:s4+$0x8020]  }
0x26: {  	v5 =	vld [tilespmem:s4+$0x20]  }
0x27: {  	v1 =	vadd.f32 v1, v0;
	v0 =	vld [tilespmem:s4+$0x8030]  }
0x28: {  	v4 =	vadd.f32 v4, v3;
	v3 =	vld [tilespmem:s4+$0x30]  }
0x29: {  	v6 =	vadd.f32 v7, v6;
	[tilespmem:s4+$0x10070] =	vst v1;
	v1 =	vld [tilespmem:s4+$0x8040]  }
0x2a: {  	s10 =	simm.s32 $0x0;
	[tilespmem:s4+$0x10000] =	vst v4;
	v4 =	vld [tilespmem:s4+$0x40]  }
.LBB2_3:
0x2b: {  	s9 =	sadd.s32 $0x80, s9;
	[tilespmem:s4+$0x10010] =	vst v6;
	v2 =	vadd.f32 v5, v2;
	v5 =	vld [tilespmem:s4+$0x8050];
	s0 =	sadd.s32 $0x400, s0  }
0x2c: {  	s10 =	sadd.s32 $0x10, s10;
	s11 =	sand.u32 $0x2000, s9;
	s14 =	sand.u32 $0x1C00, s0;
	v6 =	vld [tilespmem:s4+$0x50]  }
0x2d: {  	p1 =	slt.u32 s9, $0x3F80;
	s11 =	sor.u32 s11, s14;
	s14 =	sand.u32 $0x380, s10;
	[tilespmem:s4+$0x10020] =	vst v2;
	v0 =	vadd.f32 v3, v0;
	v2 =	vld [tilespmem:s4+$0x8060]  }
0x2e: {  	s11 =	sor.u32 s14, s11;
	v3 =	vld [tilespmem:s4+$0x60]  }
0x2f: {  	v7 =	vld [tilespmem:s11+$0x8070];
	[tilespmem:s4+$0x10030] =	vst v0;
	v0 =	vadd.f32 v4, v1  }
0x30: {  	v1 =	vld [tilespmem:s11+$0x70]  }
0x31: {  	v4 =	vld [tilespmem:s11+$0x8000];
	[tilespmem:s4+$0x10040] =	vst v0;
	v0 =	vadd.f32 v6, v5  }
0x32: {  	v6 =	vld [tilespmem:s11+$0x0]  }
0x33: {  	v8 =	vld [tilespmem:s11+$0x8010];
	[tilespmem:s4+$0x10050] =	vst v0;
	v0 =	vadd.f32 v3, v2  }
0x34: {  	v9 =	vld [tilespmem:s11+$0x10]  }
0x35: {  	v2 =	vld [tilespmem:s11+$0x8020];
	v1 =	vadd.f32 v1, v7;
	[tilespmem:s4+$0x10060] =	vst v0;
	s4 =	smov.u32 s11  }
.Ltmp0:
0x36: {  	v5 =	vld [tilespmem:s4+$0x20];
	(pc) =	sbr.rel @p1 .LBB2_3-.Ltmp0, $4  }
0x37: {  	v4 =	vadd.f32 v6, v4;
	v0 =	vld [tilespmem:s4+$0x8030];
	[tilespmem:s4+$0x10070] =	vst v1  }
0x38: {  	v3 =	vld [tilespmem:s4+$0x30]  }
0x39: {  	[tilespmem:s4+$0x10000] =	vst v4;
	v6 =	vadd.f32 v9, v8;
	v1 =	vld [tilespmem:s4+$0x8040]  }
0x3a: {  	v4 =	vld [tilespmem:s4+$0x40]  }
0x3b: {  	v7 =	vld [tilespmem:s4+$0x8050]  }
0x3c: {  	v8 =	vld [tilespmem:s4+$0x50]  }
0x3d: {  	v9 =	vld [tilespmem:s4+$0x8060]  }
0x3e: {  	v10 =	vld [tilespmem:s4+$0x60]  }
0x3f: {  	v2 =	vadd.f32 v5, v2  }
0x40: {  	[tilespmem:s4+$0x10010] =	vst v6;
	v0 =	vadd.f32 v3, v0  }
0x41: {  	[tilespmem:s4+$0x10020] =	vst v2;
	v1 =	vadd.f32 v4, v1  }
0x42: {  	s0 =	sshll.u32 s28, $0xC;
	s31 =	sshll.u32 s28, $0x5;
	[tilespmem:s4+$0x10030] =	vst v0;
	v0 =	vadd.f32 v8, v7  }
0x43: {  	s9 =	sadd.s32 s7, s0;
	s10 =	sor.u32 s31, s6;
	[tilespmem:s4+$0x10040] =	vst v1;
	v1 =	vadd.f32 v10, v9  }
0x44: {  	s0 =	sor.u32 $0x200000, s9;
	s29 =	sshll.u32 s10, $0x7;
	[tilespmem:s4+$0x10050] =	vst v0  }
0x45: {  	s26 =	sadd.s32 s1, s0;
	s30 =	sor.u32 $0x800, s29;
	[tilespmem:s4+$0x10060] =	vst v1  }
0x46: {  	[tilespmem:s15], [sflag:$0x3] =	stream.linear.gather [hbm4b:s26+s5], $0x4000, $0x38;
	[tilespmem:$0x18000] =	vst v63  }
0x47: {  	s10 =	simm.s32 $0x4000;
	s11 =	sadd.s32 s2, s30  }
0x48: {  	[tilespmem:s10], [sflag:$0x2] =	stream.linear.gather [hbm4b:s11+s5], $0x4000, $0x38;
	[tilespmem:$0x18000] =	vst v63  }
0x49: {  	s14 =	sadd.s32 s3, s9  }
0x4a: {  	[hbm4b:s14+s5] =	stream.linear.scatter [tilespmem:s20], [sflag:$0x5], $0x4000, $0x38;
	[tilespmem:$0x18000] =	vst v63  }
0x4b: {  	_ =	swait.ge [sflag:s21], $0x4000  }
0x4c: {  	s4 =	simm.s32 $0x0;
	[sflag:s21] =	ssyncset.done $0x0  }
0x4d: {  	s10 =	simm.s32 @!p0 $0x6;
	s11 =	simm.s32 $0x0;
	[sflag:s21] =	ssyncadd.s32 $0xFFFFC000  }
0x4e: {  	s26 =	sand.u32 $0x1C00, s4;
	s14 =	sand.u32 $0x2000, s11;
	_ =	swait.ge @!p0 [sflag:s10], $0x4000  }
0x4f: {  	s19 =	sand.u32 $0x380, s4;
	s14 =	sor.u32 s14, s26;
	[sflag:s10] =	ssyncset.done @!p0 $0x0  }
0x50: {  	[sflag:s10] =	ssyncadd.s32 @!p0 $0xFFFFC000;
	s10 =	sor.u32 s19, s14  }
0x51: {  	v0 =	vld [tilespmem:s10+$0xC070]  }
0x52: {  	v1 =	vld [tilespmem:s10+$0x70]  }
0x53: {  	v3 =	vld [tilespmem:s10+$0xC000]  }
0x54: {  	v4 =	vld [tilespmem:s10+$0x0]  }
0x55: {  	v6 =	vld [tilespmem:s10+$0xC010]  }
0x56: {  	v7 =	vld [tilespmem:s10+$0x10]  }
0x57: {  	v2 =	vld [tilespmem:s10+$0xC020]  }
0x58: {  	v5 =	vld [tilespmem:s10+$0x20]  }
0x59: {  	v1 =	vadd.f32 v1, v0;
	v0 =	vld [tilespmem:s10+$0xC030]  }
0x5a: {  	v4 =	vadd.f32 v4, v3;
	v3 =	vld [tilespmem:s10+$0x30]  }
0x5b: {  	v6 =	vadd.f32 v7, v6;
	[tilespmem:s10+$0x14070] =	vst v1;
	v1 =	vld [tilespmem:s10+$0xC040]  }
0x5c: {  	s14 =	simm.s32 $0x0;
	[tilespmem:s10+$0x14000] =	vst v4;
	v4 =	vld [tilespmem:s10+$0x40]  }
.LBB2_5:
0x5d: {  	s11 =	sadd.s32 $0x80, s11;
	[tilespmem:s10+$0x14010] =	vst v6;
	v2 =	vadd.f32 v5, v2;
	v5 =	vld [tilespmem:s10+$0xC050];
	s4 =	sadd.s32 $0x400, s4  }
0x5e: {  	s14 =	sadd.s32 $0x10, s14;
	s26 =	sand.u32 $0x2000, s11;
	s19 =	sand.u32 $0x1C00, s4;
	v6 =	vld [tilespmem:s10+$0x50]  }
0x5f: {  	p0 =	slt.u32 s11, $0x3F80;
	s19 =	sor.u32 s26, s19;
	s26 =	sand.u32 $0x380, s14;
	[tilespmem:s10+$0x14020] =	vst v2;
	v0 =	vadd.f32 v3, v0;
	v2 =	vld [tilespmem:s10+$0xC060]  }
0x60: {  	s19 =	sor.u32 s26, s19;
	v3 =	vld [tilespmem:s10+$0x60]  }
0x61: {  	v7 =	vld [tilespmem:s19+$0xC070];
	[tilespmem:s10+$0x14030] =	vst v0;
	v0 =	vadd.f32 v4, v1  }
0x62: {  	v1 =	vld [tilespmem:s19+$0x70]  }
0x63: {  	v4 =	vld [tilespmem:s19+$0xC000];
	[tilespmem:s10+$0x14040] =	vst v0;
	v0 =	vadd.f32 v6, v5  }
0x64: {  	v6 =	vld [tilespmem:s19+$0x0]  }
0x65: {  	v8 =	vld [tilespmem:s19+$0xC010];
	[tilespmem:s10+$0x14050] =	vst v0;
	v0 =	vadd.f32 v3, v2  }
0x66: {  	v9 =	vld [tilespmem:s19+$0x10]  }
0x67: {  	v2 =	vld [tilespmem:s19+$0xC020];
	v1 =	vadd.f32 v1, v7;
	[tilespmem:s10+$0x14060] =	vst v0;
	s10 =	smov.u32 s19  }
.Ltmp1:
0x68: {  	v5 =	vld [tilespmem:s10+$0x20];
	(pc) =	sbr.rel @p0 .LBB2_5-.Ltmp1, $4  }
0x69: {  	v4 =	vadd.f32 v6, v4;
	v0 =	vld [tilespmem:s10+$0xC030];
	[tilespmem:s10+$0x14070] =	vst v1  }
0x6a: {  	v3 =	vld [tilespmem:s10+$0x30]  }
0x6b: {  	[tilespmem:s10+$0x14000] =	vst v4;
	v6 =	vadd.f32 v9, v8;
	v1 =	vld [tilespmem:s10+$0xC040]  }
0x6c: {  	v4 =	vld [tilespmem:s10+$0x40]  }
0x6d: {  	v7 =	vld [tilespmem:s10+$0xC050]  }
0x6e: {  	v8 =	vld [tilespmem:s10+$0x50]  }
0x6f: {  	v9 =	vld [tilespmem:s10+$0xC060]  }
0x70: {  	v10 =	vld [tilespmem:s10+$0x60]  }
0x71: {  	v2 =	vadd.f32 v5, v2  }
0x72: {  	[tilespmem:s10+$0x14010] =	vst v6;
	v0 =	vadd.f32 v3, v0  }
0x73: {  	[tilespmem:s10+$0x14020] =	vst v2;
	v1 =	vadd.f32 v4, v1  }
0x74: {  	[tilespmem:s10+$0x14030] =	vst v0;
	v0 =	vadd.f32 v8, v7  }
0x75: {  	[tilespmem:s10+$0x14040] =	vst v1;
	v1 =	vadd.f32 v10, v9  }
0x76: {  	s4 =	sor.u32 $0x300000, s9;
	[tilespmem:s10+$0x14050] =	vst v0  }
0x77: {  	s11 =	sadd.s32 s1, s4;
	[tilespmem:s10+$0x14060] =	vst v1;
	s10 =	simm.s32 $0x0  }
0x78: {  	[tilespmem:s16], [sflag:$0x4] =	stream.linear.gather [hbm4b:s11+s10], $0x4000, $0x38;
	[tilespmem:$0x18000] =	vst v63  }
0x79: {  	s14 =	sadd.s32 s9, s12  }
0x7a: {  	[hbm4b:s14+s10] =	stream.linear.scatter [tilespmem:s22], [sflag:$0x6], $0x4000, $0x38;
	[tilespmem:$0x18000] =	vst v63  }
0x7b: {  	_ =	swait.ge [sflag:s17], $0x4000  }
0x7c: {  	[sflag:s17] =	ssyncset.done $0x0  }
0x7d: {  	s11 =	simm.s32 $0x0;
	[sflag:s17] =	ssyncadd.s32 $0xFFFFC000  }
0x7e: {  	s19 =	sand.u32 $0x2000, s11;
	s14 =	sand.u32 $0x1C00, s10;
	_ =	swait.ge [sflag:s23], $0x4000  }
0x7f: {  	s26 =	sand.u32 $0x380, s10;
	s9 =	sor.u32 s19, s14;
	[sflag:s23] =	ssyncset.done $0x0  }
0x80: {  	s9 =	sor.u32 s26, s9;
	[sflag:s23] =	ssyncadd.s32 $0xFFFFC000  }
0x81: {  	v0 =	vld [tilespmem:s9+$0x8070]  }
0x82: {  	v1 =	vld [tilespmem:s9+$0x70]  }
0x83: {  	v3 =	vld [tilespmem:s9+$0x8000]  }
0x84: {  	v4 =	vld [tilespmem:s9+$0x0]  }
0x85: {  	v6 =	vld [tilespmem:s9+$0x8010]  }
0x86: {  	v7 =	vld [tilespmem:s9+$0x10]  }
0x87: {  	v2 =	vld [tilespmem:s9+$0x8020]  }
0x88: {  	v5 =	vld [tilespmem:s9+$0x20]  }
0x89: {  	v1 =	vadd.f32 v1, v0;
	v0 =	vld [tilespmem:s9+$0x8030]  }
0x8a: {  	v4 =	vadd.f32 v4, v3;
	v3 =	vld [tilespmem:s9+$0x30]  }
0x8b: {  	v6 =	vadd.f32 v7, v6;
	[tilespmem:s9+$0x10070] =	vst v1;
	v1 =	vld [tilespmem:s9+$0x8040]  }
0x8c: {  	s14 =	simm.s32 $0x0;
	[tilespmem:s9+$0x10000] =	vst v4;
	v4 =	vld [tilespmem:s9+$0x40]  }
.LBB2_7:
0x8d: {  	s11 =	sadd.s32 $0x80, s11;
	[tilespmem:s9+$0x10010] =	vst v6;
	v2 =	vadd.f32 v5, v2;
	v5 =	vld [tilespmem:s9+$0x8050];
	s10 =	sadd.s32 $0x400, s10  }
0x8e: {  	s14 =	sadd.s32 $0x10, s14;
	s19 =	sand.u32 $0x2000, s11;
	s26 =	sand.u32 $0x1C00, s10;
	v6 =	vld [tilespmem:s9+$0x50]  }
0x8f: {  	p0 =	slt.u32 s11, $0x3F80;
	s19 =	sor.u32 s19, s26;
	s26 =	sand.u32 $0x380, s14;
	[tilespmem:s9+$0x10020] =	vst v2;
	v0 =	vadd.f32 v3, v0;
	v2 =	vld [tilespmem:s9+$0x8060]  }
0x90: {  	s19 =	sor.u32 s26, s19;
	v3 =	vld [tilespmem:s9+$0x60]  }
0x91: {  	v7 =	vld [tilespmem:s19+$0x8070];
	[tilespmem:s9+$0x10030] =	vst v0;
	v0 =	vadd.f32 v4, v1  }
0x92: {  	v1 =	vld [tilespmem:s19+$0x70]  }
0x93: {  	v4 =	vld [tilespmem:s19+$0x8000];
	[tilespmem:s9+$0x10040] =	vst v0;
	v0 =	vadd.f32 v6, v5  }
0x94: {  	v6 =	vld [tilespmem:s19+$0x0]  }
0x95: {  	v8 =	vld [tilespmem:s19+$0x8010];
	[tilespmem:s9+$0x10050] =	vst v0;
	v0 =	vadd.f32 v3, v2  }
0x96: {  	v9 =	vld [tilespmem:s19+$0x10]  }
0x97: {  	v2 =	vld [tilespmem:s19+$0x8020];
	v1 =	vadd.f32 v1, v7;
	[tilespmem:s9+$0x10060] =	vst v0;
	s9 =	smov.u32 s19  }
.Ltmp2:
0x98: {  	v5 =	vld [tilespmem:s9+$0x20];
	(pc) =	sbr.rel @p0 .LBB2_7-.Ltmp2, $4  }
0x99: {  	v4 =	vadd.f32 v6, v4;
	v0 =	vld [tilespmem:s9+$0x8030];
	[tilespmem:s9+$0x10070] =	vst v1  }
0x9a: {  	v3 =	vld [tilespmem:s9+$0x30]  }
0x9b: {  	[tilespmem:s9+$0x10000] =	vst v4;
	v6 =	vadd.f32 v9, v8;
	v1 =	vld [tilespmem:s9+$0x8040]  }
0x9c: {  	v4 =	vld [tilespmem:s9+$0x40]  }
0x9d: {  	v7 =	vld [tilespmem:s9+$0x8050]  }
0x9e: {  	v8 =	vld [tilespmem:s9+$0x50]  }
0x9f: {  	v9 =	vld [tilespmem:s9+$0x8060]  }
0xa0: {  	v10 =	vld [tilespmem:s9+$0x60]  }
0xa1: {  	v2 =	vadd.f32 v5, v2  }
0xa2: {  	[tilespmem:s9+$0x10010] =	vst v6;
	v0 =	vadd.f32 v3, v0  }
0xa3: {  	[tilespmem:s9+$0x10020] =	vst v2;
	v1 =	vadd.f32 v4, v1  }
0xa4: {  	[tilespmem:s9+$0x10030] =	vst v0;
	v0 =	vadd.f32 v8, v7  }
0xa5: {  	[tilespmem:s9+$0x10040] =	vst v1;
	v1 =	vadd.f32 v10, v9  }
0xa6: {  	[tilespmem:s9+$0x10050] =	vst v0  }
0xa7: {  	s14 =	sadd.s32 s1, s30;
	s10 =	simm.s32 $0x0;
	[tilespmem:s9+$0x10060] =	vst v1  }
0xa8: {  	[tilespmem:s15], [sflag:$0x3] =	stream.linear.gather [hbm4b:s14+s10], $0x4000, $0x38;
	[tilespmem:$0x18000] =	vst v63  }
0xa9: {  	s0 =	sadd.s32 s3, s0  }
0xaa: {  	[hbm4b:s0+s10] =	stream.linear.scatter [tilespmem:s20], [sflag:$0x5], $0x4000, $0x38;
	[tilespmem:$0x18000] =	vst v63  }
0xab: {  	_ =	swait.ge [sflag:s21], $0x4000  }
0xac: {  	[sflag:s21] =	ssyncset.done $0x0  }
0xad: {  	s0 =	simm.s32 $0x0;
	[sflag:s21] =	ssyncadd.s32 $0xFFFFC000  }
0xae: {  	s11 =	sand.u32 $0x1C00, s10;
	s19 =	sand.u32 $0x2000, s0;
	_ =	swait.ge [sflag:s24], $0x4000  }
0xaf: {  	s26 =	sand.u32 $0x380, s10;
	s9 =	sor.u32 s19, s11;
	[sflag:s24] =	ssyncset.done $0x0  }
0xb0: {  	s9 =	sor.u32 s26, s9;
	[sflag:s24] =	ssyncadd.s32 $0xFFFFC000  }
0xb1: {  	v0 =	vld [tilespmem:s9+$0xC070]  }
0xb2: {  	v1 =	vld [tilespmem:s9+$0x70]  }
0xb3: {  	v3 =	vld [tilespmem:s9+$0xC000]  }
0xb4: {  	v4 =	vld [tilespmem:s9+$0x0]  }
0xb5: {  	v6 =	vld [tilespmem:s9+$0xC010]  }
0xb6: {  	v7 =	vld [tilespmem:s9+$0x10]  }
0xb7: {  	v2 =	vld [tilespmem:s9+$0xC020]  }
0xb8: {  	v5 =	vld [tilespmem:s9+$0x20]  }
0xb9: {  	v1 =	vadd.f32 v1, v0;
	v0 =	vld [tilespmem:s9+$0xC030]  }
0xba: {  	v4 =	vadd.f32 v4, v3;
	v3 =	vld [tilespmem:s9+$0x30]  }
0xbb: {  	v6 =	vadd.f32 v7, v6;
	[tilespmem:s9+$0x14070] =	vst v1;
	v1 =	vld [tilespmem:s9+$0xC040]  }
0xbc: {  	s11 =	simm.s32 $0x0;
	[tilespmem:s9+$0x14000] =	vst v4;
	v4 =	vld [tilespmem:s9+$0x40]  }
.LBB2_9:
0xbd: {  	s0 =	sadd.s32 $0x80, s0;
	[tilespmem:s9+$0x14010] =	vst v6;
	v2 =	vadd.f32 v5, v2;
	v5 =	vld [tilespmem:s9+$0xC050];
	s10 =	sadd.s32 $0x400, s10  }
0xbe: {  	s11 =	sadd.s32 $0x10, s11;
	s14 =	sand.u32 $0x2000, s0;
	s19 =	sand.u32 $0x1C00, s10;
	v6 =	vld [tilespmem:s9+$0x50]  }
0xbf: {  	p0 =	slt.u32 s0, $0x3F80;
	s14 =	sor.u32 s14, s19;
	s19 =	sand.u32 $0x380, s11;
	[tilespmem:s9+$0x14020] =	vst v2;
	v0 =	vadd.f32 v3, v0;
	v2 =	vld [tilespmem:s9+$0xC060]  }
0xc0: {  	s14 =	sor.u32 s19, s14;
	v3 =	vld [tilespmem:s9+$0x60]  }
0xc1: {  	v7 =	vld [tilespmem:s14+$0xC070];
	[tilespmem:s9+$0x14030] =	vst v0;
	v0 =	vadd.f32 v4, v1  }
0xc2: {  	v1 =	vld [tilespmem:s14+$0x70]  }
0xc3: {  	v4 =	vld [tilespmem:s14+$0xC000];
	[tilespmem:s9+$0x14040] =	vst v0;
	v0 =	vadd.f32 v6, v5  }
0xc4: {  	v6 =	vld [tilespmem:s14+$0x0]  }
0xc5: {  	v8 =	vld [tilespmem:s14+$0xC010];
	[tilespmem:s9+$0x14050] =	vst v0;
	v0 =	vadd.f32 v3, v2  }
0xc6: {  	v9 =	vld [tilespmem:s14+$0x10]  }
0xc7: {  	v2 =	vld [tilespmem:s14+$0xC020];
	v1 =	vadd.f32 v1, v7;
	[tilespmem:s9+$0x14060] =	vst v0;
	s9 =	smov.u32 s14  }
.Ltmp3:
0xc8: {  	v5 =	vld [tilespmem:s9+$0x20];
	(pc) =	sbr.rel @p0 .LBB2_9-.Ltmp3, $4  }
0xc9: {  	v4 =	vadd.f32 v6, v4;
	v0 =	vld [tilespmem:s9+$0xC030];
	[tilespmem:s9+$0x14070] =	vst v1  }
0xca: {  	v3 =	vld [tilespmem:s9+$0x30]  }
0xcb: {  	[tilespmem:s9+$0x14000] =	vst v4;
	v6 =	vadd.f32 v9, v8;
	v1 =	vld [tilespmem:s9+$0xC040]  }
0xcc: {  	v4 =	vld [tilespmem:s9+$0x40]  }
0xcd: {  	v7 =	vld [tilespmem:s9+$0xC050]  }
0xce: {  	v8 =	vld [tilespmem:s9+$0x50]  }
0xcf: {  	v9 =	vld [tilespmem:s9+$0xC060]  }
0xd0: {  	v10 =	vld [tilespmem:s9+$0x60]  }
0xd1: {  	v2 =	vadd.f32 v5, v2  }
0xd2: {  	[tilespmem:s9+$0x14010] =	vst v6;
	v0 =	vadd.f32 v3, v0  }
0xd3: {  	[tilespmem:s9+$0x14020] =	vst v2;
	v1 =	vadd.f32 v4, v1  }
0xd4: {  	[tilespmem:s9+$0x14030] =	vst v0;
	v0 =	vadd.f32 v8, v7  }
0xd5: {  	[tilespmem:s9+$0x14040] =	vst v1;
	v1 =	vadd.f32 v10, v9  }
0xd6: {  	s0 =	sor.u32 $0x100800, s29;
	[tilespmem:s9+$0x14050] =	vst v0  }
0xd7: {  	s10 =	sadd.s32 s1, s0;
	[tilespmem:s9+$0x14060] =	vst v1;
	s9 =	simm.s32 $0x0  }
0xd8: {  	[tilespmem:s16], [sflag:$0x4] =	stream.linear.gather [hbm4b:s10+s9], $0x4000, $0x38;
	[tilespmem:$0x18000] =	vst v63  }
0xd9: {  	s4 =	sadd.s32 s3, s4  }
0xda: {  	[hbm4b:s4+s9] =	stream.linear.scatter [tilespmem:s22], [sflag:$0x6], $0x4000, $0x38;
	[tilespmem:$0x18000] =	vst v63  }
0xdb: {  	_ =	swait.ge [sflag:s17], $0x4000  }
0xdc: {  	[sflag:s17] =	ssyncset.done $0x0  }
0xdd: {  	[sflag:s17] =	ssyncadd.s32 $0xFFFFC000  }
0xde: {  	_ =	swait.ge [sflag:s25], $0x4000  }
0xdf: {  	[sflag:s25] =	ssyncset.done $0x0  }
0xe0: {  	s4 =	simm.s32 $0x0;
	[sflag:s25] =	ssyncadd.s32 $0xFFFFC000  }
0xe1: {  	s11 =	sand.u32 $0x1C00, s9;
	s19 =	sand.u32 $0x2000, s4;
	_ =	swait.ge [sflag:s23], $0x4000  }
0xe2: {  	s26 =	sand.u32 $0x380, s9;
	s10 =	sor.u32 s19, s11;
	[sflag:s23] =	ssyncset.done $0x0  }
0xe3: {  	s10 =	sor.u32 s26, s10;
	[sflag:s23] =	ssyncadd.s32 $0xFFFFC000  }
0xe4: {  	v0 =	vld [tilespmem:s10+$0x8070]  }
0xe5: {  	v1 =	vld [tilespmem:s10+$0x4070]  }
0xe6: {  	v3 =	vld [tilespmem:s10+$0x8000]  }
0xe7: {  	v4 =	vld [tilespmem:s10+$0x4000]  }
0xe8: {  	v6 =	vld [tilespmem:s10+$0x8010]  }
0xe9: {  	v7 =	vld [tilespmem:s10+$0x4010]  }
0xea: {  	v2 =	vld [tilespmem:s10+$0x8020]  }
0xeb: {  	v5 =	vld [tilespmem:s10+$0x4020]  }
0xec: {  	v1 =	vadd.f32 v1, v0;
	v0 =	vld [tilespmem:s10+$0x8030]  }
0xed: {  	v4 =	vadd.f32 v4, v3;
	v3 =	vld [tilespmem:s10+$0x4030]  }
0xee: {  	v6 =	vadd.f32 v7, v6;
	[tilespmem:s10+$0x10070] =	vst v1;
	v1 =	vld [tilespmem:s10+$0x8040]  }
0xef: {  	s11 =	simm.s32 $0x0;
	[tilespmem:s10+$0x10000] =	vst v4;
	v4 =	vld [tilespmem:s10+$0x4040]  }
.LBB2_11:
0xf0: {  	s4 =	sadd.s32 $0x80, s4;
	[tilespmem:s10+$0x10010] =	vst v6;
	v2 =	vadd.f32 v5, v2;
	v5 =	vld [tilespmem:s10+$0x8050];
	s9 =	sadd.s32 $0x400, s9  }
0xf1: {  	s11 =	sadd.s32 $0x10, s11;
	s14 =	sand.u32 $0x2000, s4;
	s19 =	sand.u32 $0x1C00, s9;
	v6 =	vld [tilespmem:s10+$0x4050]  }
0xf2: {  	p0 =	slt.u32 s4, $0x3F80;
	s14 =	sor.u32 s14, s19;
	s19 =	sand.u32 $0x380, s11;
	[tilespmem:s10+$0x10020] =	vst v2;
	v0 =	vadd.f32 v3, v0;
	v2 =	vld [tilespmem:s10+$0x8060]  }
0xf3: {  	s14 =	sor.u32 s19, s14;
	v3 =	vld [tilespmem:s10+$0x4060]  }
0xf4: {  	v7 =	vld [tilespmem:s14+$0x8070];
	[tilespmem:s10+$0x10030] =	vst v0;
	v0 =	vadd.f32 v4, v1  }
0xf5: {  	v1 =	vld [tilespmem:s14+$0x4070]  }
0xf6: {  	v4 =	vld [tilespmem:s14+$0x8000];
	[tilespmem:s10+$0x10040] =	vst v0;
	v0 =	vadd.f32 v6, v5  }
0xf7: {  	v6 =	vld [tilespmem:s14+$0x4000]  }
0xf8: {  	v8 =	vld [tilespmem:s14+$0x8010];
	[tilespmem:s10+$0x10050] =	vst v0;
	v0 =	vadd.f32 v3, v2  }
0xf9: {  	v9 =	vld [tilespmem:s14+$0x4010]  }
0xfa: {  	v2 =	vld [tilespmem:s14+$0x8020];
	v1 =	vadd.f32 v1, v7;
	[tilespmem:s10+$0x10060] =	vst v0;
	s10 =	smov.u32 s14  }
.Ltmp4:
0xfb: {  	v5 =	vld [tilespmem:s10+$0x4020];
	(pc) =	sbr.rel @p0 .LBB2_11-.Ltmp4, $4  }
0xfc: {  	v4 =	vadd.f32 v6, v4;
	v0 =	vld [tilespmem:s10+$0x8030];
	[tilespmem:s10+$0x10070] =	vst v1  }
0xfd: {  	v3 =	vld [tilespmem:s10+$0x4030]  }
0xfe: {  	[tilespmem:s10+$0x10000] =	vst v4;
	v6 =	vadd.f32 v9, v8;
	v1 =	vld [tilespmem:s10+$0x8040]  }
0xff: {  	v4 =	vld [tilespmem:s10+$0x4040]  }
0x100: {  	v7 =	vld [tilespmem:s10+$0x8050]  }
0x101: {  	v8 =	vld [tilespmem:s10+$0x4050]  }
0x102: {  	v9 =	vld [tilespmem:s10+$0x8060]  }
0x103: {  	v10 =	vld [tilespmem:s10+$0x4060]  }
0x104: {  	v2 =	vadd.f32 v5, v2  }
0x105: {  	[tilespmem:s10+$0x10010] =	vst v6;
	v0 =	vadd.f32 v3, v0  }
0x106: {  	[tilespmem:s10+$0x10020] =	vst v2;
	v1 =	vadd.f32 v4, v1  }
0x107: {  	[tilespmem:s10+$0x10030] =	vst v0;
	v0 =	vadd.f32 v8, v7  }
0x108: {  	[tilespmem:s10+$0x10040] =	vst v1;
	v1 =	vadd.f32 v10, v9  }
0x109: {  	s4 =	sor.u32 $0x200800, s29;
	[tilespmem:s10+$0x10050] =	vst v0  }
0x10a: {  	p0 =	seq.s32 s28, $0x7;
	s9 =	sadd.s32 s1, s4;
	[tilespmem:s10+$0x10060] =	vst v1  }
0x10b: {  	[tilespmem:s15], [sflag:$0x3] =	stream.linear.gather [hbm4b:s9+s5], $0x4000, $0x38;
	[tilespmem:$0x18000] =	vst v63  }
0x10c: {  	s9 =	sadd.s32 @!p0 s31, s13  }
0x10d: {  	s31 =	sshll.u32 @!p0 s9, $0x7  }
0x10e: {  	s10 =	simm.s32 @!p0 $0x0;
	s9 =	sadd.s32 @!p0 s2, s31  }
0x10f: {  	[tilespmem:s10], [sflag:$0x1] =	stream.linear.gather @!p0 [hbm4b:s9+s10], $0x4000, $0x38;
	[tilespmem:$0x18000] =	vst v63  }
0x110: {  	s19 =	sadd.s32 s3, s30;
	s10 =	simm.s32 $0x0  }
0x111: {  	[hbm4b:s19+s10] =	stream.linear.scatter [tilespmem:s20], [sflag:$0x5], $0x4000, $0x38;
	[tilespmem:$0x18000] =	vst v63  }
0x112: {  	_ =	swait.ge [sflag:s21], $0x4000  }
0x113: {  	[sflag:s21] =	ssyncset.done $0x0  }
0x114: {  	s11 =	simm.s32 $0x0;
	[sflag:s21] =	ssyncadd.s32 $0xFFFFC000  }
0x115: {  	s26 =	sand.u32 $0x2000, s11;
	s14 =	sand.u32 $0x1C00, s10;
	_ =	swait.ge [sflag:s24], $0x4000  }
0x116: {  	s30 =	sand.u32 $0x380, s10;
	s9 =	sor.u32 s26, s14;
	[sflag:s24] =	ssyncset.done $0x0  }
0x117: {  	s9 =	sor.u32 s30, s9;
	[sflag:s24] =	ssyncadd.s32 $0xFFFFC000  }
0x118: {  	v0 =	vld [tilespmem:s9+$0xC070]  }
0x119: {  	v1 =	vld [tilespmem:s9+$0x4070]  }
0x11a: {  	v3 =	vld [tilespmem:s9+$0xC000]  }
0x11b: {  	v4 =	vld [tilespmem:s9+$0x4000]  }
0x11c: {  	v6 =	vld [tilespmem:s9+$0xC010]  }
0x11d: {  	v7 =	vld [tilespmem:s9+$0x4010]  }
0x11e: {  	v2 =	vld [tilespmem:s9+$0xC020]  }
0x11f: {  	v5 =	vld [tilespmem:s9+$0x4020]  }
0x120: {  	v1 =	vadd.f32 v1, v0;
	v0 =	vld [tilespmem:s9+$0xC030]  }
0x121: {  	v4 =	vadd.f32 v4, v3;
	v3 =	vld [tilespmem:s9+$0x4030]  }
0x122: {  	v6 =	vadd.f32 v7, v6;
	[tilespmem:s9+$0x14070] =	vst v1;
	v1 =	vld [tilespmem:s9+$0xC040]  }
0x123: {  	s14 =	simm.s32 $0x0;
	[tilespmem:s9+$0x14000] =	vst v4;
	v4 =	vld [tilespmem:s9+$0x4040]  }
.LBB2_13:
0x124: {  	s11 =	sadd.s32 $0x80, s11;
	[tilespmem:s9+$0x14010] =	vst v6;
	v2 =	vadd.f32 v5, v2;
	v5 =	vld [tilespmem:s9+$0xC050];
	s10 =	sadd.s32 $0x400, s10  }
0x125: {  	s14 =	sadd.s32 $0x10, s14;
	s19 =	sand.u32 $0x2000, s11;
	s26 =	sand.u32 $0x1C00, s10;
	v6 =	vld [tilespmem:s9+$0x4050]  }
0x126: {  	p1 =	slt.u32 s11, $0x3F80;
	s19 =	sor.u32 s19, s26;
	s26 =	sand.u32 $0x380, s14;
	[tilespmem:s9+$0x14020] =	vst v2;
	v0 =	vadd.f32 v3, v0;
	v2 =	vld [tilespmem:s9+$0xC060]  }
0x127: {  	s19 =	sor.u32 s26, s19;
	v3 =	vld [tilespmem:s9+$0x4060]  }
0x128: {  	v7 =	vld [tilespmem:s19+$0xC070];
	[tilespmem:s9+$0x14030] =	vst v0;
	v0 =	vadd.f32 v4, v1  }
0x129: {  	v1 =	vld [tilespmem:s19+$0x4070]  }
0x12a: {  	v4 =	vld [tilespmem:s19+$0xC000];
	[tilespmem:s9+$0x14040] =	vst v0;
	v0 =	vadd.f32 v6, v5  }
0x12b: {  	v6 =	vld [tilespmem:s19+$0x4000]  }
0x12c: {  	v8 =	vld [tilespmem:s19+$0xC010];
	[tilespmem:s9+$0x14050] =	vst v0;
	v0 =	vadd.f32 v3, v2  }
0x12d: {  	v9 =	vld [tilespmem:s19+$0x4010]  }
0x12e: {  	v2 =	vld [tilespmem:s19+$0xC020];
	v1 =	vadd.f32 v1, v7;
	[tilespmem:s9+$0x14060] =	vst v0;
	s9 =	smov.u32 s19  }
.Ltmp5:
0x12f: {  	v5 =	vld [tilespmem:s9+$0x4020];
	(pc) =	sbr.rel @p1 .LBB2_13-.Ltmp5, $4  }
0x130: {  	v4 =	vadd.f32 v6, v4;
	v0 =	vld [tilespmem:s9+$0xC030];
	[tilespmem:s9+$0x14070] =	vst v1  }
0x131: {  	v3 =	vld [tilespmem:s9+$0x4030]  }
0x132: {  	[tilespmem:s9+$0x14000] =	vst v4;
	v6 =	vadd.f32 v9, v8;
	v1 =	vld [tilespmem:s9+$0xC040]  }
0x133: {  	v4 =	vld [tilespmem:s9+$0x4040]  }
0x134: {  	v7 =	vld [tilespmem:s9+$0xC050]  }
0x135: {  	v8 =	vld [tilespmem:s9+$0x4050]  }
0x136: {  	v9 =	vld [tilespmem:s9+$0xC060]  }
0x137: {  	v10 =	vld [tilespmem:s9+$0x4060]  }
0x138: {  	v2 =	vadd.f32 v5, v2  }
0x139: {  	[tilespmem:s9+$0x14010] =	vst v6;
	v0 =	vadd.f32 v3, v0  }
0x13a: {  	[tilespmem:s9+$0x14020] =	vst v2;
	v1 =	vadd.f32 v4, v1  }
0x13b: {  	[tilespmem:s9+$0x14030] =	vst v0;
	v0 =	vadd.f32 v8, v7  }
0x13c: {  	[tilespmem:s9+$0x14040] =	vst v1;
	v1 =	vadd.f32 v10, v9  }
0x13d: {  	s29 =	sor.u32 $0x300800, s29;
	[tilespmem:s9+$0x14050] =	vst v0  }
0x13e: {  	s10 =	sadd.s32 s1, s29;
	[tilespmem:s9+$0x14060] =	vst v1;
	s9 =	simm.s32 $0x0  }
0x13f: {  	[tilespmem:s16], [sflag:$0x4] =	stream.linear.gather [hbm4b:s10+s9], $0x4000, $0x38;
	[tilespmem:$0x18000] =	vst v63  }
0x140: {  	s0 =	sadd.s32 s3, s0  }
0x141: {  	[hbm4b:s0+s9] =	stream.linear.scatter [tilespmem:s22], [sflag:$0x6], $0x4000, $0x38;
	[tilespmem:$0x18000] =	vst v63  }
0x142: {  	_ =	swait.ge [sflag:s17], $0x4000  }
0x143: {  	[sflag:s17] =	ssyncset.done $0x0  }
0x144: {  	s10 =	simm.s32 $0x0;
	[sflag:s17] =	ssyncadd.s32 $0xFFFFC000  }
0x145: {  	s11 =	sand.u32 $0x1C00, s9;
	s26 =	sand.u32 $0x2000, s10;
	_ =	swait.ge [sflag:s23], $0x4000  }
0x146: {  	s30 =	sand.u32 $0x380, s9;
	s0 =	sor.u32 s26, s11;
	[sflag:s23] =	ssyncset.done $0x0  }
0x147: {  	s0 =	sor.u32 s30, s0;
	[sflag:s23] =	ssyncadd.s32 $0xFFFFC000  }
0x148: {  	v0 =	vld [tilespmem:s0+$0x8070]  }
0x149: {  	v1 =	vld [tilespmem:s0+$0x4070]  }
0x14a: {  	v3 =	vld [tilespmem:s0+$0x8000]  }
0x14b: {  	v4 =	vld [tilespmem:s0+$0x4000]  }
0x14c: {  	v6 =	vld [tilespmem:s0+$0x8010]  }
0x14d: {  	v7 =	vld [tilespmem:s0+$0x4010]  }
0x14e: {  	v2 =	vld [tilespmem:s0+$0x8020]  }
0x14f: {  	v5 =	vld [tilespmem:s0+$0x4020]  }
0x150: {  	v1 =	vadd.f32 v1, v0;
	v0 =	vld [tilespmem:s0+$0x8030]  }
0x151: {  	v4 =	vadd.f32 v4, v3;
	v3 =	vld [tilespmem:s0+$0x4030]  }
0x152: {  	v6 =	vadd.f32 v7, v6;
	[tilespmem:s0+$0x10070] =	vst v1;
	v1 =	vld [tilespmem:s0+$0x8040]  }
0x153: {  	s11 =	simm.s32 $0x0;
	[tilespmem:s0+$0x10000] =	vst v4;
	v4 =	vld [tilespmem:s0+$0x4040]  }
.LBB2_15:
0x154: {  	s10 =	sadd.s32 $0x80, s10;
	[tilespmem:s0+$0x10010] =	vst v6;
	v2 =	vadd.f32 v5, v2;
	v5 =	vld [tilespmem:s0+$0x8050];
	s9 =	sadd.s32 $0x400, s9  }
0x155: {  	s11 =	sadd.s32 $0x10, s11;
	s14 =	sand.u32 $0x2000, s10;
	s19 =	sand.u32 $0x1C00, s9;
	v6 =	vld [tilespmem:s0+$0x4050]  }
0x156: {  	p1 =	slt.u32 s10, $0x3F80;
	s14 =	sor.u32 s14, s19;
	s19 =	sand.u32 $0x380, s11;
	[tilespmem:s0+$0x10020] =	vst v2;
	v0 =	vadd.f32 v3, v0;
	v2 =	vld [tilespmem:s0+$0x8060]  }
0x157: {  	s14 =	sor.u32 s19, s14;
	v3 =	vld [tilespmem:s0+$0x4060]  }
0x158: {  	v7 =	vld [tilespmem:s14+$0x8070];
	[tilespmem:s0+$0x10030] =	vst v0;
	v0 =	vadd.f32 v4, v1  }
0x159: {  	v1 =	vld [tilespmem:s14+$0x4070]  }
0x15a: {  	v4 =	vld [tilespmem:s14+$0x8000];
	[tilespmem:s0+$0x10040] =	vst v0;
	v0 =	vadd.f32 v6, v5  }
0x15b: {  	v6 =	vld [tilespmem:s14+$0x4000]  }
0x15c: {  	v8 =	vld [tilespmem:s14+$0x8010];
	[tilespmem:s0+$0x10050] =	vst v0;
	v0 =	vadd.f32 v3, v2  }
0x15d: {  	v9 =	vld [tilespmem:s14+$0x4010]  }
0x15e: {  	v2 =	vld [tilespmem:s14+$0x8020];
	v1 =	vadd.f32 v1, v7;
	[tilespmem:s0+$0x10060] =	vst v0;
	s0 =	smov.u32 s14  }
.Ltmp6:
0x15f: {  	v5 =	vld [tilespmem:s0+$0x4020];
	(pc) =	sbr.rel @p1 .LBB2_15-.Ltmp6, $4  }
0x160: {  	v4 =	vadd.f32 v6, v4;
	v0 =	vld [tilespmem:s0+$0x8030];
	[tilespmem:s0+$0x10070] =	vst v1  }
0x161: {  	v3 =	vld [tilespmem:s0+$0x4030]  }
0x162: {  	[tilespmem:s0+$0x10000] =	vst v4;
	v6 =	vadd.f32 v9, v8;
	v1 =	vld [tilespmem:s0+$0x8040]  }
0x163: {  	v4 =	vld [tilespmem:s0+$0x4040]  }
0x164: {  	v7 =	vld [tilespmem:s0+$0x8050]  }
0x165: {  	v8 =	vld [tilespmem:s0+$0x4050]  }
0x166: {  	v9 =	vld [tilespmem:s0+$0x8060]  }
0x167: {  	v10 =	vld [tilespmem:s0+$0x4060]  }
0x168: {  	v2 =	vadd.f32 v5, v2  }
0x169: {  	[tilespmem:s0+$0x10010] =	vst v6;
	v0 =	vadd.f32 v3, v0  }
0x16a: {  	[tilespmem:s0+$0x10020] =	vst v2;
	v1 =	vadd.f32 v4, v1  }
0x16b: {  	[tilespmem:s0+$0x10030] =	vst v0;
	v0 =	vadd.f32 v8, v7  }
0x16c: {  	[tilespmem:s0+$0x10040] =	vst v1;
	v1 =	vadd.f32 v10, v9  }
0x16d: {  	[tilespmem:s0+$0x10050] =	vst v0  }
0x16e: {  	s9 =	simm.s32 @!p0 $0x0;
	s10 =	simm.s32 @!p0 $0x8000;
	[tilespmem:s0+$0x10060] =	vst v1;
	s0 =	sadd.s32 @!p0 s1, s31  }
0x16f: {  	[tilespmem:s10], [sflag:$0x3] =	stream.linear.gather @!p0 [hbm4b:s0+s9], $0x4000, $0x38;
	[tilespmem:$0x18000] =	vst v63  }
0x170: {  	s14 =	sadd.s32 s3, s4;
	s4 =	simm.s32 $0x0  }
0x171: {  	[hbm4b:s14+s4] =	stream.linear.scatter [tilespmem:s20], [sflag:$0x5], $0x4000, $0x38;
	[tilespmem:$0x18000] =	vst v63  }
0x172: {  	_ =	swait.ge [sflag:s21], $0x4000  }
0x173: {  	[sflag:s21] =	ssyncset.done $0x0  }
0x174: {  	s9 =	simm.s32 $0x0;
	[sflag:s21] =	ssyncadd.s32 $0xFFFFC000  }
0x175: {  	s26 =	sand.u32 $0x1C00, s4;
	s19 =	sand.u32 $0x2000, s9;
	_ =	swait.ge [sflag:s24], $0x4000  }
0x176: {  	s30 =	sand.u32 $0x380, s4;
	s0 =	sor.u32 s19, s26;
	[sflag:s24] =	ssyncset.done $0x0  }
0x177: {  	s0 =	sor.u32 s30, s0;
	[sflag:s24] =	ssyncadd.s32 $0xFFFFC000  }
0x178: {  	v0 =	vld [tilespmem:s0+$0xC070]  }
0x179: {  	v1 =	vld [tilespmem:s0+$0x4070]  }
0x17a: {  	v3 =	vld [tilespmem:s0+$0xC000]  }
0x17b: {  	v4 =	vld [tilespmem:s0+$0x4000]  }
0x17c: {  	v6 =	vld [tilespmem:s0+$0xC010]  }
0x17d: {  	v7 =	vld [tilespmem:s0+$0x4010]  }
0x17e: {  	v2 =	vld [tilespmem:s0+$0xC020]  }
0x17f: {  	v5 =	vld [tilespmem:s0+$0x4020]  }
0x180: {  	v1 =	vadd.f32 v1, v0;
	v0 =	vld [tilespmem:s0+$0xC030]  }
0x181: {  	v4 =	vadd.f32 v4, v3;
	v3 =	vld [tilespmem:s0+$0x4030]  }
0x182: {  	v6 =	vadd.f32 v7, v6;
	[tilespmem:s0+$0x14070] =	vst v1;
	v1 =	vld [tilespmem:s0+$0xC040]  }
0x183: {  	s10 =	simm.s32 $0x0;
	[tilespmem:s0+$0x14000] =	vst v4;
	v4 =	vld [tilespmem:s0+$0x4040]  }
.LBB2_17:
0x184: {  	s9 =	sadd.s32 $0x80, s9;
	[tilespmem:s0+$0x14010] =	vst v6;
	v2 =	vadd.f32 v5, v2;
	v5 =	vld [tilespmem:s0+$0xC050];
	s4 =	sadd.s32 $0x400, s4  }
0x185: {  	s10 =	sadd.s32 $0x10, s10;
	s11 =	sand.u32 $0x2000, s9;
	s14 =	sand.u32 $0x1C00, s4;
	v6 =	vld [tilespmem:s0+$0x4050]  }
0x186: {  	p1 =	slt.u32 s9, $0x3F80;
	s11 =	sor.u32 s11, s14;
	s14 =	sand.u32 $0x380, s10;
	[tilespmem:s0+$0x14020] =	vst v2;
	v0 =	vadd.f32 v3, v0;
	v2 =	vld [tilespmem:s0+$0xC060]  }
0x187: {  	s11 =	sor.u32 s14, s11;
	v3 =	vld [tilespmem:s0+$0x4060]  }
0x188: {  	v7 =	vld [tilespmem:s11+$0xC070];
	[tilespmem:s0+$0x14030] =	vst v0;
	v0 =	vadd.f32 v4, v1  }
0x189: {  	v1 =	vld [tilespmem:s11+$0x4070]  }
0x18a: {  	v4 =	vld [tilespmem:s11+$0xC000];
	[tilespmem:s0+$0x14040] =	vst v0;
	v0 =	vadd.f32 v6, v5  }
0x18b: {  	v6 =	vld [tilespmem:s11+$0x4000]  }
0x18c: {  	v8 =	vld [tilespmem:s11+$0xC010];
	[tilespmem:s0+$0x14050] =	vst v0;
	v0 =	vadd.f32 v3, v2  }
0x18d: {  	v9 =	vld [tilespmem:s11+$0x4010]  }
0x18e: {  	v2 =	vld [tilespmem:s11+$0xC020];
	v1 =	vadd.f32 v1, v7;
	[tilespmem:s0+$0x14060] =	vst v0;
	s0 =	smov.u32 s11  }
.Ltmp7:
0x18f: {  	v5 =	vld [tilespmem:s0+$0x4020];
	(pc) =	sbr.rel @p1 .LBB2_17-.Ltmp7, $4  }
0x190: {  	v4 =	vadd.f32 v6, v4;
	v0 =	vld [tilespmem:s0+$0xC030];
	[tilespmem:s0+$0x14070] =	vst v1  }
0x191: {  	v3 =	vld [tilespmem:s0+$0x4030]  }
0x192: {  	[tilespmem:s0+$0x14000] =	vst v4;
	v6 =	vadd.f32 v9, v8;
	v1 =	vld [tilespmem:s0+$0xC040]  }
0x193: {  	v4 =	vld [tilespmem:s0+$0x4040]  }
0x194: {  	v7 =	vld [tilespmem:s0+$0xC050]  }
0x195: {  	v8 =	vld [tilespmem:s0+$0x4050]  }
0x196: {  	v9 =	vld [tilespmem:s0+$0xC060]  }
0x197: {  	v10 =	vld [tilespmem:s0+$0x4060]  }
0x198: {  	v2 =	vadd.f32 v5, v2  }
0x199: {  	[tilespmem:s0+$0x14010] =	vst v6;
	v0 =	vadd.f32 v3, v0  }
0x19a: {  	[tilespmem:s0+$0x14020] =	vst v2;
	v1 =	vadd.f32 v4, v1  }
0x19b: {  	[tilespmem:s0+$0x14030] =	vst v0;
	v62 =	vadd.f32 v8, v7  }
0x19c: {  	v63 =	vadd.f32 v10, v9;
	[tilespmem:s0+$0x14040] =	vst v1  }
0x19d: {  	s4 =	simm.s32 @!p0 $0x0;
	[tilespmem:s0+$0x14050] =	vst v62  }
0x19e: {  	s9 =	simm.s32 @!p0 $0xC000;
	s28 =	sadd.s32 $0x1, s28;
	[tilespmem:s0+$0x14060] =	vst v63;
	s0 =	sadd.s32 @!p0 s31, s8  }
0x19f: {  	[tilespmem:s9], [sflag:$0x4] =	stream.linear.gather @!p0 [hbm4b:s0+s4], $0x4000, $0x38;
	[tilespmem:$0x18000] =	vst v63  }
0x1a0: {  	p0 =	sne.s32 s28, $0x8  }
.Ltmp8:
0x1a1: {  	_ = 	snop;
	(pc) =	sbr.rel @p0 .LBB2_2-.Ltmp8, $3  }
0x1a2: {  	_ =	sdelay $0x1  }
0x1a3: {  	s31 =	sadd.s32 s3, s29  }
0x1a4: {  	[hbm4b:s31+s5] =	stream.linear.scatter [tilespmem:s22], [sflag:$0x6], $0x4000, $0x38;
	[tilespmem:$0x18000] =	vst v63  }
0x1a5: {  	_ =	swait.ge [sflag:s23], $0x4000  }
0x1a6: {  	[sflag:s23] =	ssyncset.done $0x0  }
0x1a7: {  	[sflag:s23] =	ssyncadd.s32 $0xFFFFC000  }
0x1a8: {  	_ =	swait.ge [sflag:s24], $0x4000  }
0x1a9: {  	s4 =	rddreg [dreg:$0x8]  }
0x1aa: {  	s0 =	rddreg [dreg:$0x7];
	s4 =	sadd.s32 $0x1, s4  }
0x1ab: {  	p0 =	sne.s32 s4, s0  }
.Ltmp9:
0x1ac: {  	_ = 	snop;
	(pc) =	sbr.rel @p0 .LBB2_1-.Ltmp9, $3  }
0x1ad: {  	_ =	sdelay $0x1  }
0x1ae: {  	[sflag:s24] =	ssyncset.done $0x0  }
0x1af: {  	[sflag:s24] =	ssyncadd.s32 $0xFFFFC000  }
0x1b0: {  	_ =	sfence.sel $0x180000  }
0x1b1: {  	[bflag:$0x0] =	sbarrier.arrive $0xFFFF  }
0x1b2: {  	_ =	strace $0x90000047  }
0x1b3: {  	s0 =	stileid.u32;
	[bflag:$0x2] =	sbarrier.arrive $0xFFFF  }
0x1b4: {  	p0 =	sne.s32 s0, $0x0;
	s0 =	rddreg [dreg:$0x3]  }
0x1b5: {  	s0 =	sadd.s32 @!p0 $0x100000, s0  }
0x1b6: {  	[sflag:s0] =	ssyncadd.tile.s32 @!p0 $0x1;
	_ =	shalt  }
.Lfunc_end2:
_tile_overlayer_lowered:
.L_overlay_start_2:
0x1b7: {  	(tag) =	ssettag $0x2  }
0x1b8: {  	s0 =	rddreg [dreg:$0x0];
	s2 =	stileid.u32  }
0x1b9: {  	s1 =	rddreg [dreg:$0x1];
	p0 =	sne.s32 s2, $0x0  }
0x1ba: {  	s3 =	rddreg [dreg:$0x2];
	[bflag:$0x3] =	sbarrier.arrive $0xFFFF;
	s2 =	simm.s32 @!p0 $0x1C07  }
0x1bb: {  	[timem:s3], [sflag:s2] =	dma.local @!p0 [hbm:s0], s1  }
0x1bc: {  	s0 =	simm.s32 @!p0 $0x7  }
0x1bd: {  	_ =	swait.ge @!p0 [sflag:s0], s1  }
0x1be: {  	s1 =	ssub.s32 @!p0 $0x0, s1;
	[sflag:s0] =	ssyncset.done @!p0 $0x0  }
0x1bf: {  	[sflag:s0] =	ssyncadd.s32 @!p0 s1  }
0x1c0: {  	[bflag:$0x3] =	sbarrier.arrive $0xFFFF  }
0x1c1: {  	_ =	shalt  }

</sc_bundles>
